<compile_context>
chip_gen: v7x
topology: tpu7x:2x2x1
jax: 0.10.2.dev20260603
libtpu: 0.0.44.dev20260713+nightly
codegen_flags: <defaults>
</compile_context>

<pallas_src>
import functools

import jax
import jax.numpy as jnp
from jax import lax
from jax.experimental import pallas as pl
from jax.experimental.pallas import tpu as pltpu
from jax.experimental.pallas import tpu_sc as plsc

_PAD = 84
_VOCAB = 86
_VP = 128
_VZ = 96
_T = 20
_TP = 24
_L = 16
_NC, _NS = 2, 16
_NW = _NC * _NS


def _sc_histogram(tokens_t):
  B = tokens_t.shape[1]
  bpw = B // _NW
  mesh = plsc.VectorSubcoreMesh(core_axis_name="c", subcore_axis_name="s")

  @functools.partial(
      pl.kernel,
      out_type=jax.ShapeDtypeStruct((B * _VP,), jnp.float32),
      mesh=mesh,
      scratch_types=[
          pltpu.VMEM((_TP, bpw), jnp.int32),
          pltpu.VMEM((bpw * _VP,), jnp.float32),
          pltpu.SemaphoreType.DMA,
          pltpu.SemaphoreType.DMA,
      ],
      compiler_params=pltpu.CompilerParams(needs_layout_passes=False),
  )
  def hist_kernel(tok_hbm, out_hbm, tok_v, cnt_v, tsem, osem):
    wid = lax.axis_index("s") * _NC + lax.axis_index("c")
    base = wid * bpw
    hbpw = bpw // 2

    tok_dma = pltpu.make_async_copy(
        tok_hbm.at[:, pl.ds(base, bpw)], tok_v, tsem)
    tok_dma.start()

    zeros = jnp.zeros((_L,), jnp.float32)
    ones = jnp.ones((_L,), jnp.float32)
    lane = lax.iota(jnp.int32, _L)
    ngrp = hbpw // _L

    def zero_body(i, _):
      row = i * (_VP // _L)
      for c in range(_VZ // _L):
        cnt_v[pl.ds((row + c) * _L, _L)] = zeros
      return 0

    def make_group_body(s_half):
      def group_body(g, _):
        s0 = s_half + g * _L
        s1 = s_half + (g + ngrp // 2) * _L
        rows_a = (s0 + lane) * _VP
        rows_b = (s1 + lane) * _VP
        def t_body(t, _):
          tok_a = tok_v[t, pl.ds(s0, _L)]
          tok_b = tok_v[t, pl.ds(s1, _L)]
          plsc.addupdate_scatter(cnt_v, [rows_a + tok_a], ones)
          plsc.addupdate_scatter(cnt_v, [rows_b + tok_b], ones)
          return 0

        lax.fori_loop(0, _T, t_body, 0, unroll=4)
        return 0
      return group_body

    lax.fori_loop(0, hbpw, zero_body, 0, unroll=4)
    tok_dma.wait()
    lax.fori_loop(0, ngrp // 2, make_group_body(0), 0)
    out0 = pltpu.make_async_copy(
        cnt_v.at[pl.ds(0, hbpw * _VP)],
        out_hbm.at[pl.ds(base * _VP, hbpw * _VP)], osem)
    out0.start()

    def zero_body1(i, _):
      return zero_body(i + hbpw, _)

    lax.fori_loop(0, hbpw, zero_body1, 0, unroll=4)
    lax.fori_loop(0, ngrp // 2, make_group_body(hbpw), 0)
    out1 = pltpu.make_async_copy(
        cnt_v.at[pl.ds(hbpw * _VP, hbpw * _VP)],
        out_hbm.at[pl.ds((base + hbpw) * _VP, hbpw * _VP)], osem)
    out1.start()
    out0.wait()
    out1.wait()

  return hist_kernel(tokens_t)


def _tc_pool_mlp(counts, table_pad, W1, b1, W2, b2, block_b):
  B = counts.shape[0]
  grid = (B // block_b,)

  def body(cnt_ref, tw1_ref, b1_ref, w2_ref, b2_ref, out_ref):
    cnt = cnt_ref[...]
    col = lax.broadcasted_iota(jnp.int32, (1, _VP), 1)
    keep = jnp.logical_and(col != _PAD, col < _VOCAB)
    cntm = jnp.where(keep, cnt, 0.0)
    denom = jnp.maximum(jnp.sum(cntm, axis=1, keepdims=True), 1.0)
    h = jnp.dot(cntm, tw1_ref[...],
                preferred_element_type=jnp.float32) / denom + b1_ref[...]
    h = 0.5 * h * (1.0 + lax.erf(h * 0.7071067811865476))
    out_ref[...] = jnp.dot(h, w2_ref[...],
                           preferred_element_type=jnp.float32) + b2_ref[...]

  d = W2.shape[0]
  tw1 = table_pad @ W1
  return pl.pallas_call(
      body,
      grid=grid,
      in_specs=[
          pl.BlockSpec((block_b, _VP), lambda i: (i, 0)),
          pl.BlockSpec((_VP, d), lambda i: (0, 0)),
          pl.BlockSpec((1, d), lambda i: (0, 0)),
          pl.BlockSpec((d, d), lambda i: (0, 0)),
          pl.BlockSpec((1, d), lambda i: (0, 0)),
      ],
      out_specs=pl.BlockSpec((block_b, d), lambda i: (i, 0)),
      out_shape=jax.ShapeDtypeStruct((B, d), jnp.float32),
  )(counts, tw1, b1, W2, b2)


def kernel(tokens, table, W1, b1, W2, b2):
  B = tokens.shape[0]
  tokens_t = jnp.zeros((_TP, B), jnp.int32).at[:_T].set(tokens.T)
  table_pad = jnp.zeros((_VP, table.shape[1]), table.dtype).at[:_VOCAB].set(table)
  counts = _sc_histogram(tokens_t).reshape(B, _VP)
  return _tc_pool_mlp(counts, table_pad, W1,
                      b1.reshape(1, -1), W2, b2.reshape(1, -1), block_b=8192)

# --- scband reference (transcript-rebuilt; emitter-appended) ---
"""Pipeline reference for scband-simple-text-encoder-76312978915384 (READ-ONLY COPY).

The authoritative reference and input builder live on the scoring server;
editing this copy changes nothing except your own understanding.
"""

import jax, jax.numpy as jnp
import numpy as np

VOCAB_SIZE = 86
PAD_IDX = 84
EMBED_DIM = 256
BATCH = 16384
MAX_TOKENS = 20


def setup_inputs(seed: int = 0) -> dict:
    key = jax.random.key(seed)
    ks = jax.random.split(key, 6)
    tokens = jax.random.randint(ks[0], (BATCH, MAX_TOKENS), 0, VOCAB_SIZE, dtype=jnp.int64 if jax.config.jax_enable_x64 else jnp.int32).astype(jnp.int32)
    # Embedding table: normal std=0.02, pad row zeroed (matches _init_weights)
    table = (jax.random.normal(ks[1], (VOCAB_SIZE, EMBED_DIM), dtype=jnp.float32) * 0.02)
    table = table.at[PAD_IDX].set(0.0)
    # Linear layers (kaiming-uniform-ish scale)
    lim = 1.0 / np.sqrt(EMBED_DIM)
    W1 = jax.random.uniform(ks[2], (EMBED_DIM, EMBED_DIM), dtype=jnp.float32, minval=-lim, maxval=lim)
    b1 = jax.random.uniform(ks[3], (EMBED_DIM,), dtype=jnp.float32, minval=-lim, maxval=lim)
    W2 = jax.random.uniform(ks[4], (EMBED_DIM, EMBED_DIM), dtype=jnp.float32, minval=-lim, maxval=lim)
    b2 = jax.random.uniform(ks[5], (EMBED_DIM,), dtype=jnp.float32, minval=-lim, maxval=lim)
    return {"tokens": tokens, "table": table, "W1": W1, "b1": b1, "W2": W2, "b2": b2}


def reference(tokens, table, W1, b1, W2, b2):
    # embedding lookup (SparseCore gather)
    embeds = jnp.take(table, tokens, axis=0)              # [B, T, D]
    # masked mean pooling over non-pad tokens
    mask = (tokens != PAD_IDX).astype(jnp.float32)[..., None]  # [B, T, 1]
    pooled = (embeds * mask).sum(axis=1) / jnp.clip(mask.sum(axis=1), 1.0, None)  # [B, D]
    # pool MLP: Linear -> GELU(exact) -> Linear
    h = jax.nn.gelu(pooled @ W1 + b1, approximate=False)
    out = h @ W2 + b2
    return out

if __name__ == "__main__":
    import jax
    _d = setup_inputs()
    print(jax.jit(kernel)(*tuple(_d.values())))

</pallas_src>

<mosaic_0001>
#map = affine_map<(d0, d1) -> (0, 0)>
#map1 = affine_map<(d0, d1) -> (0)>
module attributes {stable_mosaic.version = 14 : i64} {
  func.func @hist_kernel(%arg0: i32, %arg1: i32, %arg2: memref<24x16384xi32, #tpu.memory_space<hbm>>, %arg3: memref<2097152xf32, #tpu.memory_space<hbm>>, %arg4: memref<24x512xi32, #tpu.memory_space<vmem>>, %arg5: memref<65536xf32, #tpu.memory_space<vmem>>, %arg6: memref<!tpu.dma_semaphore, #tpu.memory_space<semaphore_mem>>, %arg7: memref<!tpu.dma_semaphore, #tpu.memory_space<semaphore_mem>>) attributes {dimension_semantics = [#tpu.dimension_semantics<core_parallel>, #tpu.dimension_semantics<subcore_parallel>], iteration_bounds = array<i64: 2, 16>, scalar_prefetch = 0 : i64, scratch_operands = 4 : i64, tpu.core_type = #tpu.core_type<sc_vector_subcore>, window_params = [{transform_indices = #map}, {transform_indices = #map1}]} {
    %mul3A = arith.constant 2 : i32
    %mul3A_0 = arith.muli %arg1, %mul3A : i32
    %add3A = arith.addi %mul3A_0, %arg0 : i32
    %mul3A_1 = arith.constant 512 : i32
    %mul3A_2 = arith.muli %add3A, %mul3A_1 : i32
    %dma_start3A = arith.constant 0 : i32
    %dma_start3A_3 = tpu.memref_slice %arg2[%dma_start3A, %mul3A_2] : memref<24x16384xi32, #tpu.memory_space<hbm>> -> memref<24x512xi32, #tpu.memory_space<hbm>>
    %dma_start3A_4 = arith.constant 0 : i32
    %dma_start3A_5 = tpu.memref_slice %arg2[%dma_start3A_4, %mul3A_2] : memref<24x16384xi32, #tpu.memory_space<hbm>> -> memref<24x512xi32, #tpu.memory_space<hbm>>
    tpu.enqueue_dma source(%dma_start3A_5 : memref<24x512xi32, #tpu.memory_space<hbm>>) target(%arg4 : memref<24x512xi32, #tpu.memory_space<vmem>>) target_semaphore(%arg6 : memref<!tpu.dma_semaphore, #tpu.memory_space<semaphore_mem>>)
    %broadcast_in_dim3A = arith.constant 0.000000e+00 : f32
    %broadcast_in_dim3A_6 = vector.broadcast %broadcast_in_dim3A : f32 to vector<16xf32>
    %broadcast_in_dim3A_7 = arith.constant 1.000000e+00 : f32
    %broadcast_in_dim3A_8 = vector.broadcast %broadcast_in_dim3A_7 : f32 to vector<16xf32>
    %iota3A = tpu.iota {dimensions = array<i32: 0>} : vector<16xi32>
    %scan3A = arith.constant 0 : i32
    %scan3A_9 = arith.constant 0 : i32
    %scan3A_10 = arith.constant 256 : i32
    %scan3A_11 = arith.addi %scan3A_9, %scan3A_10 : i32
    %scan3A_12 = arith.constant 4 : i32
    %scan3A_13 = scf.for %scan3A_69 = %scan3A_9 to %scan3A_11 step %scan3A_12 iter_args(%scan3A_70 = %scan3A) -> (i32)  : i32 {
      %mul3A_71 = arith.constant 8 : i32
      %mul3A_72 = arith.muli %scan3A_69, %mul3A_71 : i32
      %add3A_73 = arith.constant 0 : i32
      %add3A_74 = arith.addi %mul3A_72, %add3A_73 : i32
      %mul3A_75 = arith.constant 16 : i32
      %mul3A_76 = arith.muli %add3A_74, %mul3A_75 : i32
      %swap3A = arith.index_cast %mul3A_76 : i32 to index
      %swap3A_77 = tpu.vector_load %arg5[%swap3A] {strides = array<i32>} : memref<65536xf32, #tpu.memory_space<vmem>>, vector<16xf32>,
      tpu.vector_store %arg5[%swap3A], %broadcast_in_dim3A_6 {strides = array<i32>} : memref<65536xf32, #tpu.memory_space<vmem>>, vector<16xf32>,
      %add3A_78 = arith.constant 1 : i32
      %add3A_79 = arith.addi %mul3A_72, %add3A_78 : i32
      %mul3A_80 = arith.constant 16 : i32
      %mul3A_81 = arith.muli %add3A_79, %mul3A_80 : i32
      %swap3A_82 = arith.index_cast %mul3A_81 : i32 to index
      %swap3A_83 = tpu.vector_load %arg5[%swap3A_82] {strides = array<i32>} : memref<65536xf32, #tpu.memory_space<vmem>>, vector<16xf32>,
      tpu.vector_store %arg5[%swap3A_82], %broadcast_in_dim3A_6 {strides = array<i32>} : memref<65536xf32, #tpu.memory_space<vmem>>, vector<16xf32>,
      %add3A_84 = arith.constant 2 : i32
      %add3A_85 = arith.addi %mul3A_72, %add3A_84 : i32
      %mul3A_86 = arith.constant 16 : i32
      %mul3A_87 = arith.muli %add3A_85, %mul3A_86 : i32
      %swap3A_88 = arith.index_cast %mul3A_87 : i32 to index
      %swap3A_89 = tpu.vector_load %arg5[%swap3A_88] {strides = array<i32>} : memref<65536xf32, #tpu.memory_space<vmem>>, vector<16xf32>,
      tpu.vector_store %arg5[%swap3A_88], %broadcast_in_dim3A_6 {strides = array<i32>} : memref<65536xf32, #tpu.memory_space<vmem>>, vector<16xf32>,
      %add3A_90 = arith.constant 3 : i32
      %add3A_91 = arith.addi %mul3A_72, %add3A_90 : i32
      %mul3A_92 = arith.constant 16 : i32
      %mul3A_93 = arith.muli %add3A_91, %mul3A_92 : i32
      %swap3A_94 = arith.index_cast %mul3A_93 : i32 to index
      %swap3A_95 = tpu.vector_load %arg5[%swap3A_94] {strides = array<i32>} : memref<65536xf32, #tpu.memory_space<vmem>>, vector<16xf32>,
      tpu.vector_store %arg5[%swap3A_94], %broadcast_in_dim3A_6 {strides = array<i32>} : memref<65536xf32, #tpu.memory_space<vmem>>, vector<16xf32>,
      %add3A_96 = arith.constant 4 : i32
      %add3A_97 = arith.addi %mul3A_72, %add3A_96 : i32
      %mul3A_98 = arith.constant 16 : i32
      %mul3A_99 = arith.muli %add3A_97, %mul3A_98 : i32
      %swap3A_100 = arith.index_cast %mul3A_99 : i32 to index
      %swap3A_101 = tpu.vector_load %arg5[%swap3A_100] {strides = array<i32>} : memref<65536xf32, #tpu.memory_space<vmem>>, vector<16xf32>,
      tpu.vector_store %arg5[%swap3A_100], %broadcast_in_dim3A_6 {strides = array<i32>} : memref<65536xf32, #tpu.memory_space<vmem>>, vector<16xf32>,
      %add3A_102 = arith.constant 5 : i32
      %add3A_103 = arith.addi %mul3A_72, %add3A_102 : i32
      %mul3A_104 = arith.constant 16 : i32
      %mul3A_105 = arith.muli %add3A_103, %mul3A_104 : i32
      %swap3A_106 = arith.index_cast %mul3A_105 : i32 to index
      %swap3A_107 = tpu.vector_load %arg5[%swap3A_106] {strides = array<i32>} : memref<65536xf32, #tpu.memory_space<vmem>>, vector<16xf32>,
      tpu.vector_store %arg5[%swap3A_106], %broadcast_in_dim3A_6 {strides = array<i32>} : memref<65536xf32, #tpu.memory_space<vmem>>, vector<16xf32>,
      %scan3A_108 = arith.constant 0 : i32
      %scan3A_109 = arith.constant 1 : i32
      %scan3A_110 = arith.addi %scan3A_69, %scan3A_109 : i32
      %mul3A_111 = arith.constant 8 : i32
      %mul3A_112 = arith.muli %scan3A_110, %mul3A_111 : i32
      %add3A_113 = arith.constant 0 : i32
      %add3A_114 = arith.addi %mul3A_112, %add3A_113 : i32
      %mul3A_115 = arith.constant 16 : i32
      %mul3A_116 = arith.muli %add3A_114, %mul3A_115 : i32
      %swap3A_117 = arith.index_cast %mul3A_116 : i32 to index
      %swap3A_118 = tpu.vector_load %arg5[%swap3A_117] {strides = array<i32>} : memref<65536xf32, #tpu.memory_space<vmem>>, vector<16xf32>,
      tpu.vector_store %arg5[%swap3A_117], %broadcast_in_dim3A_6 {strides = array<i32>} : memref<65536xf32, #tpu.memory_space<vmem>>, vector<16xf32>,
      %add3A_119 = arith.constant 1 : i32
      %add3A_120 = arith.addi %mul3A_112, %add3A_119 : i32
      %mul3A_121 = arith.constant 16 : i32
      %mul3A_122 = arith.muli %add3A_120, %mul3A_121 : i32
      %swap3A_123 = arith.index_cast %mul3A_122 : i32 to index
      %swap3A_124 = tpu.vector_load %arg5[%swap3A_123] {strides = array<i32>} : memref<65536xf32, #tpu.memory_space<vmem>>, vector<16xf32>,
      tpu.vector_store %arg5[%swap3A_123], %broadcast_in_dim3A_6 {strides = array<i32>} : memref<65536xf32, #tpu.memory_space<vmem>>, vector<16xf32>,
      %add3A_125 = arith.constant 2 : i32
      %add3A_126 = arith.addi %mul3A_112, %add3A_125 : i32
      %mul3A_127 = arith.constant 16 : i32
      %mul3A_128 = arith.muli %add3A_126, %mul3A_127 : i32
      %swap3A_129 = arith.index_cast %mul3A_128 : i32 to index
      %swap3A_130 = tpu.vector_load %arg5[%swap3A_129] {strides = array<i32>} : memref<65536xf32, #tpu.memory_space<vmem>>, vector<16xf32>,
      tpu.vector_store %arg5[%swap3A_129], %broadcast_in_dim3A_6 {strides = array<i32>} : memref<65536xf32, #tpu.memory_space<vmem>>, vector<16xf32>,
      %add3A_131 = arith.constant 3 : i32
      %add3A_132 = arith.addi %mul3A_112, %add3A_131 : i32
      %mul3A_133 = arith.constant 16 : i32
      %mul3A_134 = arith.muli %add3A_132, %mul3A_133 : i32
      %swap3A_135 = arith.index_cast %mul3A_134 : i32 to index
      %swap3A_136 = tpu.vector_load %arg5[%swap3A_135] {strides = array<i32>} : memref<65536xf32, #tpu.memory_space<vmem>>, vector<16xf32>,
      tpu.vector_store %arg5[%swap3A_135], %broadcast_in_dim3A_6 {strides = array<i32>} : memref<65536xf32, #tpu.memory_space<vmem>>, vector<16xf32>,
      %add3A_137 = arith.constant 4 : i32
      %add3A_138 = arith.addi %mul3A_112, %add3A_137 : i32
      %mul3A_139 = arith.constant 16 : i32
      %mul3A_140 = arith.muli %add3A_138, %mul3A_139 : i32
      %swap3A_141 = arith.index_cast %mul3A_140 : i32 to index
      %swap3A_142 = tpu.vector_load %arg5[%swap3A_141] {strides = array<i32>} : memref<65536xf32, #tpu.memory_space<vmem>>, vector<16xf32>,
      tpu.vector_store %arg5[%swap3A_141], %broadcast_in_dim3A_6 {strides = array<i32>} : memref<65536xf32, #tpu.memory_space<vmem>>, vector<16xf32>,
      %add3A_143 = arith.constant 5 : i32
      %add3A_144 = arith.addi %mul3A_112, %add3A_143 : i32
      %mul3A_145 = arith.constant 16 : i32
      %mul3A_146 = arith.muli %add3A_144, %mul3A_145 : i32
      %swap3A_147 = arith.index_cast %mul3A_146 : i32 to index
      %swap3A_148 = tpu.vector_load %arg5[%swap3A_147] {strides = array<i32>} : memref<65536xf32, #tpu.memory_space<vmem>>, vector<16xf32>,
      tpu.vector_store %arg5[%swap3A_147], %broadcast_in_dim3A_6 {strides = array<i32>} : memref<65536xf32, #tpu.memory_space<vmem>>, vector<16xf32>,
      %scan3A_149 = arith.constant 0 : i32
      %scan3A_150 = arith.constant 2 : i32
      %scan3A_151 = arith.addi %scan3A_69, %scan3A_150 : i32
      %mul3A_152 = arith.constant 8 : i32
      %mul3A_153 = arith.muli %scan3A_151, %mul3A_152 : i32
      %add3A_154 = arith.constant 0 : i32
      %add3A_155 = arith.addi %mul3A_153, %add3A_154 : i32
      %mul3A_156 = arith.constant 16 : i32
      %mul3A_157 = arith.muli %add3A_155, %mul3A_156 : i32
      %swap3A_158 = arith.index_cast %mul3A_157 : i32 to index
      %swap3A_159 = tpu.vector_load %arg5[%swap3A_158] {strides = array<i32>} : memref<65536xf32, #tpu.memory_space<vmem>>, vector<16xf32>,
      tpu.vector_store %arg5[%swap3A_158], %broadcast_in_dim3A_6 {strides = array<i32>} : memref<65536xf32, #tpu.memory_space<vmem>>, vector<16xf32>,
      %add3A_160 = arith.constant 1 : i32
      %add3A_161 = arith.addi %mul3A_153, %add3A_160 : i32
      %mul3A_162 = arith.constant 16 : i32
      %mul3A_163 = arith.muli %add3A_161, %mul3A_162 : i32
      %swap3A_164 = arith.index_cast %mul3A_163 : i32 to index
      %swap3A_165 = tpu.vector_load %arg5[%swap3A_164] {strides = array<i32>} : memref<65536xf32, #tpu.memory_space<vmem>>, vector<16xf32>,
      tpu.vector_store %arg5[%swap3A_164], %broadcast_in_dim3A_6 {strides = array<i32>} : memref<65536xf32, #tpu.memory_space<vmem>>, vector<16xf32>,
      %add3A_166 = arith.constant 2 : i32
      %add3A_167 = arith.addi %mul3A_153, %add3A_166 : i32
      %mul3A_168 = arith.constant 16 : i32
      %mul3A_169 = arith.muli %add3A_167, %mul3A_168 : i32
      %swap3A_170 = arith.index_cast %mul3A_169 : i32 to index
      %swap3A_171 = tpu.vector_load %arg5[%swap3A_170] {strides = array<i32>} : memref<65536xf32, #tpu.memory_space<vmem>>, vector<16xf32>,
      tpu.vector_store %arg5[%swap3A_170], %broadcast_in_dim3A_6 {strides = array<i32>} : memref<65536xf32, #tpu.memory_space<vmem>>, vector<16xf32>,
      %add3A_172 = arith.constant 3 : i32
      %add3A_173 = arith.addi %mul3A_153, %add3A_172 : i32
      %mul3A_174 = arith.constant 16 : i32
      %mul3A_175 = arith.muli %add3A_173, %mul3A_174 : i32
      %swap3A_176 = arith.index_cast %mul3A_175 : i32 to index
      %swap3A_177 = tpu.vector_load %arg5[%swap3A_176] {strides = array<i32>} : memref<65536xf32, #tpu.memory_space<vmem>>, vector<16xf32>,
      tpu.vector_store %arg5[%swap3A_176], %broadcast_in_dim3A_6 {strides = array<i32>} : memref<65536xf32, #tpu.memory_space<vmem>>, vector<16xf32>,
      %add3A_178 = arith.constant 4 : i32
      %add3A_179 = arith.addi %mul3A_153, %add3A_178 : i32
      %mul3A_180 = arith.constant 16 : i32
      %mul3A_181 = arith.muli %add3A_179, %mul3A_180 : i32
      %swap3A_182 = arith.index_cast %mul3A_181 : i32 to index
      %swap3A_183 = tpu.vector_load %arg5[%swap3A_182] {strides = array<i32>} : memref<65536xf32, #tpu.memory_space<vmem>>, vector<16xf32>,
      tpu.vector_store %arg5[%swap3A_182], %broadcast_in_dim3A_6 {strides = array<i32>} : memref<65536xf32, #tpu.memory_space<vmem>>, vector<16xf32>,
      %add3A_184 = arith.constant 5 : i32
      %add3A_185 = arith.addi %mul3A_153, %add3A_184 : i32
      %mul3A_186 = arith.constant 16 : i32
      %mul3A_187 = arith.muli %add3A_185, %mul3A_186 : i32
      %swap3A_188 = arith.index_cast %mul3A_187 : i32 to index
      %swap3A_189 = tpu.vector_load %arg5[%swap3A_188] {strides = array<i32>} : memref<65536xf32, #tpu.memory_space<vmem>>, vector<16xf32>,
      tpu.vector_store %arg5[%swap3A_188], %broadcast_in_dim3A_6 {strides = array<i32>} : memref<65536xf32, #tpu.memory_space<vmem>>, vector<16xf32>,
      %scan3A_190 = arith.constant 0 : i32
      %scan3A_191 = arith.constant 3 : i32
      %scan3A_192 = arith.addi %scan3A_69, %scan3A_191 : i32
      %mul3A_193 = arith.constant 8 : i32
      %mul3A_194 = arith.muli %scan3A_192, %mul3A_193 : i32
      %add3A_195 = arith.constant 0 : i32
      %add3A_196 = arith.addi %mul3A_194, %add3A_195 : i32
      %mul3A_197 = arith.constant 16 : i32
      %mul3A_198 = arith.muli %add3A_196, %mul3A_197 : i32
      %swap3A_199 = arith.index_cast %mul3A_198 : i32 to index
      %swap3A_200 = tpu.vector_load %arg5[%swap3A_199] {strides = array<i32>} : memref<65536xf32, #tpu.memory_space<vmem>>, vector<16xf32>,
      tpu.vector_store %arg5[%swap3A_199], %broadcast_in_dim3A_6 {strides = array<i32>} : memref<65536xf32, #tpu.memory_space<vmem>>, vector<16xf32>,
      %add3A_201 = arith.constant 1 : i32
      %add3A_202 = arith.addi %mul3A_194, %add3A_201 : i32
      %mul3A_203 = arith.constant 16 : i32
      %mul3A_204 = arith.muli %add3A_202, %mul3A_203 : i32
      %swap3A_205 = arith.index_cast %mul3A_204 : i32 to index
      %swap3A_206 = tpu.vector_load %arg5[%swap3A_205] {strides = array<i32>} : memref<65536xf32, #tpu.memory_space<vmem>>, vector<16xf32>,
      tpu.vector_store %arg5[%swap3A_205], %broadcast_in_dim3A_6 {strides = array<i32>} : memref<65536xf32, #tpu.memory_space<vmem>>, vector<16xf32>,
      %add3A_207 = arith.constant 2 : i32
      %add3A_208 = arith.addi %mul3A_194, %add3A_207 : i32
      %mul3A_209 = arith.constant 16 : i32
      %mul3A_210 = arith.muli %add3A_208, %mul3A_209 : i32
      %swap3A_211 = arith.index_cast %mul3A_210 : i32 to index
      %swap3A_212 = tpu.vector_load %arg5[%swap3A_211] {strides = array<i32>} : memref<65536xf32, #tpu.memory_space<vmem>>, vector<16xf32>,
      tpu.vector_store %arg5[%swap3A_211], %broadcast_in_dim3A_6 {strides = array<i32>} : memref<65536xf32, #tpu.memory_space<vmem>>, vector<16xf32>,
      %add3A_213 = arith.constant 3 : i32
      %add3A_214 = arith.addi %mul3A_194, %add3A_213 : i32
      %mul3A_215 = arith.constant 16 : i32
      %mul3A_216 = arith.muli %add3A_214, %mul3A_215 : i32
      %swap3A_217 = arith.index_cast %mul3A_216 : i32 to index
      %swap3A_218 = tpu.vector_load %arg5[%swap3A_217] {strides = array<i32>} : memref<65536xf32, #tpu.memory_space<vmem>>, vector<16xf32>,
      tpu.vector_store %arg5[%swap3A_217], %broadcast_in_dim3A_6 {strides = array<i32>} : memref<65536xf32, #tpu.memory_space<vmem>>, vector<16xf32>,
      %add3A_219 = arith.constant 4 : i32
      %add3A_220 = arith.addi %mul3A_194, %add3A_219 : i32
      %mul3A_221 = arith.constant 16 : i32
      %mul3A_222 = arith.muli %add3A_220, %mul3A_221 : i32
      %swap3A_223 = arith.index_cast %mul3A_222 : i32 to index
      %swap3A_224 = tpu.vector_load %arg5[%swap3A_223] {strides = array<i32>} : memref<65536xf32, #tpu.memory_space<vmem>>, vector<16xf32>,
      tpu.vector_store %arg5[%swap3A_223], %broadcast_in_dim3A_6 {strides = array<i32>} : memref<65536xf32, #tpu.memory_space<vmem>>, vector<16xf32>,
      %add3A_225 = arith.constant 5 : i32
      %add3A_226 = arith.addi %mul3A_194, %add3A_225 : i32
      %mul3A_227 = arith.constant 16 : i32
      %mul3A_228 = arith.muli %add3A_226, %mul3A_227 : i32
      %swap3A_229 = arith.index_cast %mul3A_228 : i32 to index
      %swap3A_230 = tpu.vector_load %arg5[%swap3A_229] {strides = array<i32>} : memref<65536xf32, #tpu.memory_space<vmem>>, vector<16xf32>,
      tpu.vector_store %arg5[%swap3A_229], %broadcast_in_dim3A_6 {strides = array<i32>} : memref<65536xf32, #tpu.memory_space<vmem>>, vector<16xf32>,
      %scan3A_231 = arith.constant 0 : i32
      scf.yield %scan3A_231 : i32
    }
    %scan3A_14 = arith.constant 256 : i32
    %dma_wait3A = arith.constant 0 : i32
    %dma_wait3A_15 = tpu.memref_slice %arg2[%dma_wait3A, %mul3A_2] : memref<24x16384xi32, #tpu.memory_space<hbm>> -> memref<24x512xi32, #tpu.memory_space<hbm>>
    %dma_wait3A_16 = arith.constant 0 : i32
    %dma_wait3A_17 = tpu.memref_slice %arg2[%dma_wait3A_16, %mul3A_2] : memref<24x16384xi32, #tpu.memory_space<hbm>> -> memref<24x512xi32, #tpu.memory_space<hbm>>
    tpu.wait_dma2 semaphore(%arg6 : memref<!tpu.dma_semaphore, #tpu.memory_space<semaphore_mem>>) src(%dma_wait3A_17 : memref<24x512xi32, #tpu.memory_space<hbm>>) dst(%arg4 : memref<24x512xi32, #tpu.memory_space<vmem>>)
    %scan3A_18 = arith.constant 0 : i32
    %scan3A_19 = arith.constant 0 : i32
    %scan3A_20 = arith.constant 8 : i32
    %scan3A_21 = arith.addi %scan3A_19, %scan3A_20 : i32
    %scan3A_22 = arith.constant 1 : i32
    %scan3A_23 = scf.for %scan3A_69 = %scan3A_19 to %scan3A_21 step %scan3A_22 iter_args(%scan3A_70 = %scan3A_18) -> (i32)  : i32 {
      %mul3A_71 = arith.constant 16 : i32
      %mul3A_72 = arith.muli %scan3A_69, %mul3A_71 : i32
      %add3A_73 = arith.constant 0 : i32
      %add3A_74 = arith.addi %add3A_73, %mul3A_72 : i32
      %add3A_75 = arith.constant 8 : i32
      %add3A_76 = arith.addi %scan3A_69, %add3A_75 : i32
      %mul3A_77 = arith.constant 16 : i32
      %mul3A_78 = arith.muli %add3A_76, %mul3A_77 : i32
      %add3A_79 = arith.constant 0 : i32
      %add3A_80 = arith.addi %add3A_79, %mul3A_78 : i32
      %add3A_81 = vector.broadcast %add3A_74 : i32 to vector<16xi32>
      %add3A_82 = arith.addi %add3A_81, %iota3A : vector<16xi32>
      %mul3A_83 = arith.constant 128 : i32
      %mul3A_84 = vector.broadcast %mul3A_83 : i32 to vector<16xi32>
      %mul3A_85 = arith.muli %add3A_82, %mul3A_84 : vector<16xi32>
      %add3A_86 = vector.broadcast %add3A_80 : i32 to vector<16xi32>
      %add3A_87 = arith.addi %add3A_86, %iota3A : vector<16xi32>
      %mul3A_88 = arith.constant 128 : i32
      %mul3A_89 = vector.broadcast %mul3A_88 : i32 to vector<16xi32>
      %mul3A_90 = arith.muli %add3A_87, %mul3A_89 : vector<16xi32>
      %scan3A_91 = arith.constant 0 : i32
      %scan3A_92 = arith.constant 0 : i32
      %scan3A_93 = arith.constant 20 : i32
      %scan3A_94 = arith.addi %scan3A_92, %scan3A_93 : i32
      %scan3A_95 = arith.constant 4 : i32
      %scan3A_96 = scf.for %scan3A_99 = %scan3A_92 to %scan3A_94 step %scan3A_95 iter_args(%scan3A_100 = %scan3A_91) -> (i32)  : i32 {
        %get3A = arith.index_cast %scan3A_99 : i32 to index
        %get3A_101 = arith.index_cast %add3A_74 : i32 to index
        %get3A_102 = tpu.vector_load %arg4[%get3A, %get3A_101] {strides = array<i32>} : memref<24x512xi32, #tpu.memory_space<vmem>>, vector<16xi32>,
        %get3A_103 = arith.index_cast %scan3A_99 : i32 to index
        %get3A_104 = arith.index_cast %add3A_80 : i32 to index
        %get3A_105 = tpu.vector_load %arg4[%get3A_103, %get3A_104] {strides = array<i32>} : memref<24x512xi32, #tpu.memory_space<vmem>>, vector<16xi32>,
        %add3A_106 = arith.addi %mul3A_85, %get3A_102 : vector<16xi32>
        tpu.vector_store_idx %arg5[%add3A_106], %broadcast_in_dim3A_8 {add = true} : memref<65536xf32, #tpu.memory_space<vmem>>[vector<16xi32>], vector<16xf32>,
        %add3A_107 = arith.addi %mul3A_90, %get3A_105 : vector<16xi32>
        tpu.vector_store_idx %arg5[%add3A_107], %broadcast_in_dim3A_8 {add = true} : memref<65536xf32, #tpu.memory_space<vmem>>[vector<16xi32>], vector<16xf32>,
        %scan3A_108 = arith.constant 0 : i32
        %scan3A_109 = arith.constant 1 : i32
        %scan3A_110 = arith.addi %scan3A_99, %scan3A_109 : i32
        %get3A_111 = arith.index_cast %scan3A_110 : i32 to index
        %get3A_112 = arith.index_cast %add3A_74 : i32 to index
        %get3A_113 = tpu.vector_load %arg4[%get3A_111, %get3A_112] {strides = array<i32>} : memref<24x512xi32, #tpu.memory_space<vmem>>, vector<16xi32>,
        %get3A_114 = arith.index_cast %scan3A_110 : i32 to index
        %get3A_115 = arith.index_cast %add3A_80 : i32 to index
        %get3A_116 = tpu.vector_load %arg4[%get3A_114, %get3A_115] {strides = array<i32>} : memref<24x512xi32, #tpu.memory_space<vmem>>, vector<16xi32>,
        %add3A_117 = arith.addi %mul3A_85, %get3A_113 : vector<16xi32>
        tpu.vector_store_idx %arg5[%add3A_117], %broadcast_in_dim3A_8 {add = true} : memref<65536xf32, #tpu.memory_space<vmem>>[vector<16xi32>], vector<16xf32>,
        %add3A_118 = arith.addi %mul3A_90, %get3A_116 : vector<16xi32>
        tpu.vector_store_idx %arg5[%add3A_118], %broadcast_in_dim3A_8 {add = true} : memref<65536xf32, #tpu.memory_space<vmem>>[vector<16xi32>], vector<16xf32>,
        %scan3A_119 = arith.constant 0 : i32
        %scan3A_120 = arith.constant 2 : i32
        %scan3A_121 = arith.addi %scan3A_99, %scan3A_120 : i32
        %get3A_122 = arith.index_cast %scan3A_121 : i32 to index
        %get3A_123 = arith.index_cast %add3A_74 : i32 to index
        %get3A_124 = tpu.vector_load %arg4[%get3A_122, %get3A_123] {strides = array<i32>} : memref<24x512xi32, #tpu.memory_space<vmem>>, vector<16xi32>,
        %get3A_125 = arith.index_cast %scan3A_121 : i32 to index
        %get3A_126 = arith.index_cast %add3A_80 : i32 to index
        %get3A_127 = tpu.vector_load %arg4[%get3A_125, %get3A_126] {strides = array<i32>} : memref<24x512xi32, #tpu.memory_space<vmem>>, vector<16xi32>,
        %add3A_128 = arith.addi %mul3A_85, %get3A_124 : vector<16xi32>
        tpu.vector_store_idx %arg5[%add3A_128], %broadcast_in_dim3A_8 {add = true} : memref<65536xf32, #tpu.memory_space<vmem>>[vector<16xi32>], vector<16xf32>,
        %add3A_129 = arith.addi %mul3A_90, %get3A_127 : vector<16xi32>
        tpu.vector_store_idx %arg5[%add3A_129], %broadcast_in_dim3A_8 {add = true} : memref<65536xf32, #tpu.memory_space<vmem>>[vector<16xi32>], vector<16xf32>,
        %scan3A_130 = arith.constant 0 : i32
        %scan3A_131 = arith.constant 3 : i32
        %scan3A_132 = arith.addi %scan3A_99, %scan3A_131 : i32
        %get3A_133 = arith.index_cast %scan3A_132 : i32 to index
        %get3A_134 = arith.index_cast %add3A_74 : i32 to index
        %get3A_135 = tpu.vector_load %arg4[%get3A_133, %get3A_134] {strides = array<i32>} : memref<24x512xi32, #tpu.memory_space<vmem>>, vector<16xi32>,
        %get3A_136 = arith.index_cast %scan3A_132 : i32 to index
        %get3A_137 = arith.index_cast %add3A_80 : i32 to index
        %get3A_138 = tpu.vector_load %arg4[%get3A_136, %get3A_137] {strides = array<i32>} : memref<24x512xi32, #tpu.memory_space<vmem>>, vector<16xi32>,
        %add3A_139 = arith.addi %mul3A_85, %get3A_135 : vector<16xi32>
        tpu.vector_store_idx %arg5[%add3A_139], %broadcast_in_dim3A_8 {add = true} : memref<65536xf32, #tpu.memory_space<vmem>>[vector<16xi32>], vector<16xf32>,
        %add3A_140 = arith.addi %mul3A_90, %get3A_138 : vector<16xi32>
        tpu.vector_store_idx %arg5[%add3A_140], %broadcast_in_dim3A_8 {add = true} : memref<65536xf32, #tpu.memory_space<vmem>>[vector<16xi32>], vector<16xf32>,
        %scan3A_141 = arith.constant 0 : i32
        scf.yield %scan3A_141 : i32
      }
      %scan3A_97 = arith.constant 20 : i32
      %scan3A_98 = arith.constant 0 : i32
      scf.yield %scan3A_98 : i32
    }
    %scan3A_24 = arith.constant 8 : i32
    %mul3A_25 = arith.constant 128 : i32
    %mul3A_26 = arith.muli %mul3A_2, %mul3A_25 : i32
    %dma_start3A_27 = arith.constant 0 : i32
    %dma_start3A_28 = tpu.memref_slice %arg5[%dma_start3A_27] : memref<65536xf32, #tpu.memory_space<vmem>> -> memref<32768xf32, #tpu.memory_space<vmem>>
    %dma_start3A_29 = tpu.memref_slice %arg3[%mul3A_26] : memref<2097152xf32, #tpu.memory_space<hbm>> -> memref<32768xf32, #tpu.memory_space<hbm>>
    %dma_start3A_30 = tpu.memref_slice %arg3[%mul3A_26] : memref<2097152xf32, #tpu.memory_space<hbm>> -> memref<32768xf32, #tpu.memory_space<hbm>>
    %dma_start3A_31 = arith.constant 0 : i32
    %dma_start3A_32 = tpu.memref_slice %arg5[%dma_start3A_31] : memref<65536xf32, #tpu.memory_space<vmem>> -> memref<32768xf32, #tpu.memory_space<vmem>>
    tpu.enqueue_dma source(%dma_start3A_32 : memref<32768xf32, #tpu.memory_space<vmem>>) target(%dma_start3A_30 : memref<32768xf32, #tpu.memory_space<hbm>>) target_semaphore(%arg7 : memref<!tpu.dma_semaphore, #tpu.memory_space<semaphore_mem>>)
    %scan3A_33 = arith.constant 0 : i32
    %scan3A_34 = arith.constant 0 : i32
    %scan3A_35 = arith.constant 256 : i32
    %scan3A_36 = arith.addi %scan3A_34, %scan3A_35 : i32
    %scan3A_37 = arith.constant 4 : i32
    %scan3A_38 = scf.for %scan3A_69 = %scan3A_34 to %scan3A_36 step %scan3A_37 iter_args(%scan3A_70 = %scan3A_33) -> (i32)  : i32 {
      %add3A_71 = arith.constant 256 : i32
      %add3A_72 = arith.addi %scan3A_69, %add3A_71 : i32
      %mul3A_73 = arith.constant 8 : i32
      %mul3A_74 = arith.muli %add3A_72, %mul3A_73 : i32
      %add3A_75 = arith.constant 0 : i32
      %add3A_76 = arith.addi %mul3A_74, %add3A_75 : i32
      %mul3A_77 = arith.constant 16 : i32
      %mul3A_78 = arith.muli %add3A_76, %mul3A_77 : i32
      %swap3A = arith.index_cast %mul3A_78 : i32 to index
      %swap3A_79 = tpu.vector_load %arg5[%swap3A] {strides = array<i32>} : memref<65536xf32, #tpu.memory_space<vmem>>, vector<16xf32>,
      tpu.vector_store %arg5[%swap3A], %broadcast_in_dim3A_6 {strides = array<i32>} : memref<65536xf32, #tpu.memory_space<vmem>>, vector<16xf32>,
      %add3A_80 = arith.constant 1 : i32
      %add3A_81 = arith.addi %mul3A_74, %add3A_80 : i32
      %mul3A_82 = arith.constant 16 : i32
      %mul3A_83 = arith.muli %add3A_81, %mul3A_82 : i32
      %swap3A_84 = arith.index_cast %mul3A_83 : i32 to index
      %swap3A_85 = tpu.vector_load %arg5[%swap3A_84] {strides = array<i32>} : memref<65536xf32, #tpu.memory_space<vmem>>, vector<16xf32>,
      tpu.vector_store %arg5[%swap3A_84], %broadcast_in_dim3A_6 {strides = array<i32>} : memref<65536xf32, #tpu.memory_space<vmem>>, vector<16xf32>,
      %add3A_86 = arith.constant 2 : i32
      %add3A_87 = arith.addi %mul3A_74, %add3A_86 : i32
      %mul3A_88 = arith.constant 16 : i32
      %mul3A_89 = arith.muli %add3A_87, %mul3A_88 : i32
      %swap3A_90 = arith.index_cast %mul3A_89 : i32 to index
      %swap3A_91 = tpu.vector_load %arg5[%swap3A_90] {strides = array<i32>} : memref<65536xf32, #tpu.memory_space<vmem>>, vector<16xf32>,
      tpu.vector_store %arg5[%swap3A_90], %broadcast_in_dim3A_6 {strides = array<i32>} : memref<65536xf32, #tpu.memory_space<vmem>>, vector<16xf32>,
      %add3A_92 = arith.constant 3 : i32
      %add3A_93 = arith.addi %mul3A_74, %add3A_92 : i32
      %mul3A_94 = arith.constant 16 : i32
      %mul3A_95 = arith.muli %add3A_93, %mul3A_94 : i32
      %swap3A_96 = arith.index_cast %mul3A_95 : i32 to index
      %swap3A_97 = tpu.vector_load %arg5[%swap3A_96] {strides = array<i32>} : memref<65536xf32, #tpu.memory_space<vmem>>, vector<16xf32>,
      tpu.vector_store %arg5[%swap3A_96], %broadcast_in_dim3A_6 {strides = array<i32>} : memref<65536xf32, #tpu.memory_space<vmem>>, vector<16xf32>,
      %add3A_98 = arith.constant 4 : i32
      %add3A_99 = arith.addi %mul3A_74, %add3A_98 : i32
      %mul3A_100 = arith.constant 16 : i32
      %mul3A_101 = arith.muli %add3A_99, %mul3A_100 : i32
      %swap3A_102 = arith.index_cast %mul3A_101 : i32 to index
      %swap3A_103 = tpu.vector_load %arg5[%swap3A_102] {strides = array<i32>} : memref<65536xf32, #tpu.memory_space<vmem>>, vector<16xf32>,
      tpu.vector_store %arg5[%swap3A_102], %broadcast_in_dim3A_6 {strides = array<i32>} : memref<65536xf32, #tpu.memory_space<vmem>>, vector<16xf32>,
      %add3A_104 = arith.constant 5 : i32
      %add3A_105 = arith.addi %mul3A_74, %add3A_104 : i32
      %mul3A_106 = arith.constant 16 : i32
      %mul3A_107 = arith.muli %add3A_105, %mul3A_106 : i32
      %swap3A_108 = arith.index_cast %mul3A_107 : i32 to index
      %swap3A_109 = tpu.vector_load %arg5[%swap3A_108] {strides = array<i32>} : memref<65536xf32, #tpu.memory_space<vmem>>, vector<16xf32>,
      tpu.vector_store %arg5[%swap3A_108], %broadcast_in_dim3A_6 {strides = array<i32>} : memref<65536xf32, #tpu.memory_space<vmem>>, vector<16xf32>,
      %scan3A_110 = arith.constant 0 : i32
      %scan3A_111 = arith.constant 1 : i32
      %scan3A_112 = arith.addi %scan3A_69, %scan3A_111 : i32
      %add3A_113 = arith.constant 256 : i32
      %add3A_114 = arith.addi %scan3A_112, %add3A_113 : i32
      %mul3A_115 = arith.constant 8 : i32
      %mul3A_116 = arith.muli %add3A_114, %mul3A_115 : i32
      %add3A_117 = arith.constant 0 : i32
      %add3A_118 = arith.addi %mul3A_116, %add3A_117 : i32
      %mul3A_119 = arith.constant 16 : i32
      %mul3A_120 = arith.muli %add3A_118, %mul3A_119 : i32
      %swap3A_121 = arith.index_cast %mul3A_120 : i32 to index
      %swap3A_122 = tpu.vector_load %arg5[%swap3A_121] {strides = array<i32>} : memref<65536xf32, #tpu.memory_space<vmem>>, vector<16xf32>,
      tpu.vector_store %arg5[%swap3A_121], %broadcast_in_dim3A_6 {strides = array<i32>} : memref<65536xf32, #tpu.memory_space<vmem>>, vector<16xf32>,
      %add3A_123 = arith.constant 1 : i32
      %add3A_124 = arith.addi %mul3A_116, %add3A_123 : i32
      %mul3A_125 = arith.constant 16 : i32
      %mul3A_126 = arith.muli %add3A_124, %mul3A_125 : i32
      %swap3A_127 = arith.index_cast %mul3A_126 : i32 to index
      %swap3A_128 = tpu.vector_load %arg5[%swap3A_127] {strides = array<i32>} : memref<65536xf32, #tpu.memory_space<vmem>>, vector<16xf32>,
      tpu.vector_store %arg5[%swap3A_127], %broadcast_in_dim3A_6 {strides = array<i32>} : memref<65536xf32, #tpu.memory_space<vmem>>, vector<16xf32>,
      %add3A_129 = arith.constant 2 : i32
      %add3A_130 = arith.addi %mul3A_116, %add3A_129 : i32
      %mul3A_131 = arith.constant 16 : i32
      %mul3A_132 = arith.muli %add3A_130, %mul3A_131 : i32
      %swap3A_133 = arith.index_cast %mul3A_132 : i32 to index
      %swap3A_134 = tpu.vector_load %arg5[%swap3A_133] {strides = array<i32>} : memref<65536xf32, #tpu.memory_space<vmem>>, vector<16xf32>,
      tpu.vector_store %arg5[%swap3A_133], %broadcast_in_dim3A_6 {strides = array<i32>} : memref<65536xf32, #tpu.memory_space<vmem>>, vector<16xf32>,
      %add3A_135 = arith.constant 3 : i32
      %add3A_136 = arith.addi %mul3A_116, %add3A_135 : i32
      %mul3A_137 = arith.constant 16 : i32
      %mul3A_138 = arith.muli %add3A_136, %mul3A_137 : i32
      %swap3A_139 = arith.index_cast %mul3A_138 : i32 to index
      %swap3A_140 = tpu.vector_load %arg5[%swap3A_139] {strides = array<i32>} : memref<65536xf32, #tpu.memory_space<vmem>>, vector<16xf32>,
      tpu.vector_store %arg5[%swap3A_139], %broadcast_in_dim3A_6 {strides = array<i32>} : memref<65536xf32, #tpu.memory_space<vmem>>, vector<16xf32>,
      %add3A_141 = arith.constant 4 : i32
      %add3A_142 = arith.addi %mul3A_116, %add3A_141 : i32
      %mul3A_143 = arith.constant 16 : i32
      %mul3A_144 = arith.muli %add3A_142, %mul3A_143 : i32
      %swap3A_145 = arith.index_cast %mul3A_144 : i32 to index
      %swap3A_146 = tpu.vector_load %arg5[%swap3A_145] {strides = array<i32>} : memref<65536xf32, #tpu.memory_space<vmem>>, vector<16xf32>,
      tpu.vector_store %arg5[%swap3A_145], %broadcast_in_dim3A_6 {strides = array<i32>} : memref<65536xf32, #tpu.memory_space<vmem>>, vector<16xf32>,
      %add3A_147 = arith.constant 5 : i32
      %add3A_148 = arith.addi %mul3A_116, %add3A_147 : i32
      %mul3A_149 = arith.constant 16 : i32
      %mul3A_150 = arith.muli %add3A_148, %mul3A_149 : i32
      %swap3A_151 = arith.index_cast %mul3A_150 : i32 to index
      %swap3A_152 = tpu.vector_load %arg5[%swap3A_151] {strides = array<i32>} : memref<65536xf32, #tpu.memory_space<vmem>>, vector<16xf32>,
      tpu.vector_store %arg5[%swap3A_151], %broadcast_in_dim3A_6 {strides = array<i32>} : memref<65536xf32, #tpu.memory_space<vmem>>, vector<16xf32>,
      %scan3A_153 = arith.constant 0 : i32
      %scan3A_154 = arith.constant 2 : i32
      %scan3A_155 = arith.addi %scan3A_69, %scan3A_154 : i32
      %add3A_156 = arith.constant 256 : i32
      %add3A_157 = arith.addi %scan3A_155, %add3A_156 : i32
      %mul3A_158 = arith.constant 8 : i32
      %mul3A_159 = arith.muli %add3A_157, %mul3A_158 : i32
      %add3A_160 = arith.constant 0 : i32
      %add3A_161 = arith.addi %mul3A_159, %add3A_160 : i32
      %mul3A_162 = arith.constant 16 : i32
      %mul3A_163 = arith.muli %add3A_161, %mul3A_162 : i32
      %swap3A_164 = arith.index_cast %mul3A_163 : i32 to index
      %swap3A_165 = tpu.vector_load %arg5[%swap3A_164] {strides = array<i32>} : memref<65536xf32, #tpu.memory_space<vmem>>, vector<16xf32>,
      tpu.vector_store %arg5[%swap3A_164], %broadcast_in_dim3A_6 {strides = array<i32>} : memref<65536xf32, #tpu.memory_space<vmem>>, vector<16xf32>,
      %add3A_166 = arith.constant 1 : i32
      %add3A_167 = arith.addi %mul3A_159, %add3A_166 : i32
      %mul3A_168 = arith.constant 16 : i32
      %mul3A_169 = arith.muli %add3A_167, %mul3A_168 : i32
      %swap3A_170 = arith.index_cast %mul3A_169 : i32 to index
      %swap3A_171 = tpu.vector_load %arg5[%swap3A_170] {strides = array<i32>} : memref<65536xf32, #tpu.memory_space<vmem>>, vector<16xf32>,
      tpu.vector_store %arg5[%swap3A_170], %broadcast_in_dim3A_6 {strides = array<i32>} : memref<65536xf32, #tpu.memory_space<vmem>>, vector<16xf32>,
      %add3A_172 = arith.constant 2 : i32
      %add3A_173 = arith.addi %mul3A_159, %add3A_172 : i32
      %mul3A_174 = arith.constant 16 : i32
      %mul3A_175 = arith.muli %add3A_173, %mul3A_174 : i32
      %swap3A_176 = arith.index_cast %mul3A_175 : i32 to index
      %swap3A_177 = tpu.vector_load %arg5[%swap3A_176] {strides = array<i32>} : memref<65536xf32, #tpu.memory_space<vmem>>, vector<16xf32>,
      tpu.vector_store %arg5[%swap3A_176], %broadcast_in_dim3A_6 {strides = array<i32>} : memref<65536xf32, #tpu.memory_space<vmem>>, vector<16xf32>,
      %add3A_178 = arith.constant 3 : i32
      %add3A_179 = arith.addi %mul3A_159, %add3A_178 : i32
      %mul3A_180 = arith.constant 16 : i32
      %mul3A_181 = arith.muli %add3A_179, %mul3A_180 : i32
      %swap3A_182 = arith.index_cast %mul3A_181 : i32 to index
      %swap3A_183 = tpu.vector_load %arg5[%swap3A_182] {strides = array<i32>} : memref<65536xf32, #tpu.memory_space<vmem>>, vector<16xf32>,
      tpu.vector_store %arg5[%swap3A_182], %broadcast_in_dim3A_6 {strides = array<i32>} : memref<65536xf32, #tpu.memory_space<vmem>>, vector<16xf32>,
      %add3A_184 = arith.constant 4 : i32
      %add3A_185 = arith.addi %mul3A_159, %add3A_184 : i32
      %mul3A_186 = arith.constant 16 : i32
      %mul3A_187 = arith.muli %add3A_185, %mul3A_186 : i32
      %swap3A_188 = arith.index_cast %mul3A_187 : i32 to index
      %swap3A_189 = tpu.vector_load %arg5[%swap3A_188] {strides = array<i32>} : memref<65536xf32, #tpu.memory_space<vmem>>, vector<16xf32>,
      tpu.vector_store %arg5[%swap3A_188], %broadcast_in_dim3A_6 {strides = array<i32>} : memref<65536xf32, #tpu.memory_space<vmem>>, vector<16xf32>,
      %add3A_190 = arith.constant 5 : i32
      %add3A_191 = arith.addi %mul3A_159, %add3A_190 : i32
      %mul3A_192 = arith.constant 16 : i32
      %mul3A_193 = arith.muli %add3A_191, %mul3A_192 : i32
      %swap3A_194 = arith.index_cast %mul3A_193 : i32 to index
      %swap3A_195 = tpu.vector_load %arg5[%swap3A_194] {strides = array<i32>} : memref<65536xf32, #tpu.memory_space<vmem>>, vector<16xf32>,
      tpu.vector_store %arg5[%swap3A_194], %broadcast_in_dim3A_6 {strides = array<i32>} : memref<65536xf32, #tpu.memory_space<vmem>>, vector<16xf32>,
      %scan3A_196 = arith.constant 0 : i32
      %scan3A_197 = arith.constant 3 : i32
      %scan3A_198 = arith.addi %scan3A_69, %scan3A_197 : i32
      %add3A_199 = arith.constant 256 : i32
      %add3A_200 = arith.addi %scan3A_198, %add3A_199 : i32
      %mul3A_201 = arith.constant 8 : i32
      %mul3A_202 = arith.muli %add3A_200, %mul3A_201 : i32
      %add3A_203 = arith.constant 0 : i32
      %add3A_204 = arith.addi %mul3A_202, %add3A_203 : i32
      %mul3A_205 = arith.constant 16 : i32
      %mul3A_206 = arith.muli %add3A_204, %mul3A_205 : i32
      %swap3A_207 = arith.index_cast %mul3A_206 : i32 to index
      %swap3A_208 = tpu.vector_load %arg5[%swap3A_207] {strides = array<i32>} : memref<65536xf32, #tpu.memory_space<vmem>>, vector<16xf32>,
      tpu.vector_store %arg5[%swap3A_207], %broadcast_in_dim3A_6 {strides = array<i32>} : memref<65536xf32, #tpu.memory_space<vmem>>, vector<16xf32>,
      %add3A_209 = arith.constant 1 : i32
      %add3A_210 = arith.addi %mul3A_202, %add3A_209 : i32
      %mul3A_211 = arith.constant 16 : i32
      %mul3A_212 = arith.muli %add3A_210, %mul3A_211 : i32
      %swap3A_213 = arith.index_cast %mul3A_212 : i32 to index
      %swap3A_214 = tpu.vector_load %arg5[%swap3A_213] {strides = array<i32>} : memref<65536xf32, #tpu.memory_space<vmem>>, vector<16xf32>,
      tpu.vector_store %arg5[%swap3A_213], %broadcast_in_dim3A_6 {strides = array<i32>} : memref<65536xf32, #tpu.memory_space<vmem>>, vector<16xf32>,
      %add3A_215 = arith.constant 2 : i32
      %add3A_216 = arith.addi %mul3A_202, %add3A_215 : i32
      %mul3A_217 = arith.constant 16 : i32
      %mul3A_218 = arith.muli %add3A_216, %mul3A_217 : i32
      %swap3A_219 = arith.index_cast %mul3A_218 : i32 to index
      %swap3A_220 = tpu.vector_load %arg5[%swap3A_219] {strides = array<i32>} : memref<65536xf32, #tpu.memory_space<vmem>>, vector<16xf32>,
      tpu.vector_store %arg5[%swap3A_219], %broadcast_in_dim3A_6 {strides = array<i32>} : memref<65536xf32, #tpu.memory_space<vmem>>, vector<16xf32>,
      %add3A_221 = arith.constant 3 : i32
      %add3A_222 = arith.addi %mul3A_202, %add3A_221 : i32
      %mul3A_223 = arith.constant 16 : i32
      %mul3A_224 = arith.muli %add3A_222, %mul3A_223 : i32
      %swap3A_225 = arith.index_cast %mul3A_224 : i32 to index
      %swap3A_226 = tpu.vector_load %arg5[%swap3A_225] {strides = array<i32>} : memref<65536xf32, #tpu.memory_space<vmem>>, vector<16xf32>,
      tpu.vector_store %arg5[%swap3A_225], %broadcast_in_dim3A_6 {strides = array<i32>} : memref<65536xf32, #tpu.memory_space<vmem>>, vector<16xf32>,
      %add3A_227 = arith.constant 4 : i32
      %add3A_228 = arith.addi %mul3A_202, %add3A_227 : i32
      %mul3A_229 = arith.constant 16 : i32
      %mul3A_230 = arith.muli %add3A_228, %mul3A_229 : i32
      %swap3A_231 = arith.index_cast %mul3A_230 : i32 to index
      %swap3A_232 = tpu.vector_load %arg5[%swap3A_231] {strides = array<i32>} : memref<65536xf32, #tpu.memory_space<vmem>>, vector<16xf32>,
      tpu.vector_store %arg5[%swap3A_231], %broadcast_in_dim3A_6 {strides = array<i32>} : memref<65536xf32, #tpu.memory_space<vmem>>, vector<16xf32>,
      %add3A_233 = arith.constant 5 : i32
      %add3A_234 = arith.addi %mul3A_202, %add3A_233 : i32
      %mul3A_235 = arith.constant 16 : i32
      %mul3A_236 = arith.muli %add3A_234, %mul3A_235 : i32
      %swap3A_237 = arith.index_cast %mul3A_236 : i32 to index
      %swap3A_238 = tpu.vector_load %arg5[%swap3A_237] {strides = array<i32>} : memref<65536xf32, #tpu.memory_space<vmem>>, vector<16xf32>,
      tpu.vector_store %arg5[%swap3A_237], %broadcast_in_dim3A_6 {strides = array<i32>} : memref<65536xf32, #tpu.memory_space<vmem>>, vector<16xf32>,
      %scan3A_239 = arith.constant 0 : i32
      scf.yield %scan3A_239 : i32
    }
    %scan3A_39 = arith.constant 256 : i32
    %scan3A_40 = arith.constant 0 : i32
    %scan3A_41 = arith.constant 0 : i32
    %scan3A_42 = arith.constant 8 : i32
    %scan3A_43 = arith.addi %scan3A_41, %scan3A_42 : i32
    %scan3A_44 = arith.constant 1 : i32
    %scan3A_45 = scf.for %scan3A_69 = %scan3A_41 to %scan3A_43 step %scan3A_44 iter_args(%scan3A_70 = %scan3A_40) -> (i32)  : i32 {
      %mul3A_71 = arith.constant 16 : i32
      %mul3A_72 = arith.muli %scan3A_69, %mul3A_71 : i32
      %add3A_73 = arith.constant 256 : i32
      %add3A_74 = arith.addi %add3A_73, %mul3A_72 : i32
      %add3A_75 = arith.constant 8 : i32
      %add3A_76 = arith.addi %scan3A_69, %add3A_75 : i32
      %mul3A_77 = arith.constant 16 : i32
      %mul3A_78 = arith.muli %add3A_76, %mul3A_77 : i32
      %add3A_79 = arith.constant 256 : i32
      %add3A_80 = arith.addi %add3A_79, %mul3A_78 : i32
      %add3A_81 = vector.broadcast %add3A_74 : i32 to vector<16xi32>
      %add3A_82 = arith.addi %add3A_81, %iota3A : vector<16xi32>
      %mul3A_83 = arith.constant 128 : i32
      %mul3A_84 = vector.broadcast %mul3A_83 : i32 to vector<16xi32>
      %mul3A_85 = arith.muli %add3A_82, %mul3A_84 : vector<16xi32>
      %add3A_86 = vector.broadcast %add3A_80 : i32 to vector<16xi32>
      %add3A_87 = arith.addi %add3A_86, %iota3A : vector<16xi32>
      %mul3A_88 = arith.constant 128 : i32
      %mul3A_89 = vector.broadcast %mul3A_88 : i32 to vector<16xi32>
      %mul3A_90 = arith.muli %add3A_87, %mul3A_89 : vector<16xi32>
      %scan3A_91 = arith.constant 0 : i32
      %scan3A_92 = arith.constant 0 : i32
      %scan3A_93 = arith.constant 20 : i32
      %scan3A_94 = arith.addi %scan3A_92, %scan3A_93 : i32
      %scan3A_95 = arith.constant 4 : i32
      %scan3A_96 = scf.for %scan3A_99 = %scan3A_92 to %scan3A_94 step %scan3A_95 iter_args(%scan3A_100 = %scan3A_91) -> (i32)  : i32 {
        %get3A = arith.index_cast %scan3A_99 : i32 to index
        %get3A_101 = arith.index_cast %add3A_74 : i32 to index
        %get3A_102 = tpu.vector_load %arg4[%get3A, %get3A_101] {strides = array<i32>} : memref<24x512xi32, #tpu.memory_space<vmem>>, vector<16xi32>,
        %get3A_103 = arith.index_cast %scan3A_99 : i32 to index
        %get3A_104 = arith.index_cast %add3A_80 : i32 to index
        %get3A_105 = tpu.vector_load %arg4[%get3A_103, %get3A_104] {strides = array<i32>} : memref<24x512xi32, #tpu.memory_space<vmem>>, vector<16xi32>,
        %add3A_106 = arith.addi %mul3A_85, %get3A_102 : vector<16xi32>
        tpu.vector_store_idx %arg5[%add3A_106], %broadcast_in_dim3A_8 {add = true} : memref<65536xf32, #tpu.memory_space<vmem>>[vector<16xi32>], vector<16xf32>,
        %add3A_107 = arith.addi %mul3A_90, %get3A_105 : vector<16xi32>
        tpu.vector_store_idx %arg5[%add3A_107], %broadcast_in_dim3A_8 {add = true} : memref<65536xf32, #tpu.memory_space<vmem>>[vector<16xi32>], vector<16xf32>,
        %scan3A_108 = arith.constant 0 : i32
        %scan3A_109 = arith.constant 1 : i32
        %scan3A_110 = arith.addi %scan3A_99, %scan3A_109 : i32
        %get3A_111 = arith.index_cast %scan3A_110 : i32 to index
        %get3A_112 = arith.index_cast %add3A_74 : i32 to index
        %get3A_113 = tpu.vector_load %arg4[%get3A_111, %get3A_112] {strides = array<i32>} : memref<24x512xi32, #tpu.memory_space<vmem>>, vector<16xi32>,
        %get3A_114 = arith.index_cast %scan3A_110 : i32 to index
        %get3A_115 = arith.index_cast %add3A_80 : i32 to index
        %get3A_116 = tpu.vector_load %arg4[%get3A_114, %get3A_115] {strides = array<i32>} : memref<24x512xi32, #tpu.memory_space<vmem>>, vector<16xi32>,
        %add3A_117 = arith.addi %mul3A_85, %get3A_113 : vector<16xi32>
        tpu.vector_store_idx %arg5[%add3A_117], %broadcast_in_dim3A_8 {add = true} : memref<65536xf32, #tpu.memory_space<vmem>>[vector<16xi32>], vector<16xf32>,
        %add3A_118 = arith.addi %mul3A_90, %get3A_116 : vector<16xi32>
        tpu.vector_store_idx %arg5[%add3A_118], %broadcast_in_dim3A_8 {add = true} : memref<65536xf32, #tpu.memory_space<vmem>>[vector<16xi32>], vector<16xf32>,
        %scan3A_119 = arith.constant 0 : i32
        %scan3A_120 = arith.constant 2 : i32
        %scan3A_121 = arith.addi %scan3A_99, %scan3A_120 : i32
        %get3A_122 = arith.index_cast %scan3A_121 : i32 to index
        %get3A_123 = arith.index_cast %add3A_74 : i32 to index
        %get3A_124 = tpu.vector_load %arg4[%get3A_122, %get3A_123] {strides = array<i32>} : memref<24x512xi32, #tpu.memory_space<vmem>>, vector<16xi32>,
        %get3A_125 = arith.index_cast %scan3A_121 : i32 to index
        %get3A_126 = arith.index_cast %add3A_80 : i32 to index
        %get3A_127 = tpu.vector_load %arg4[%get3A_125, %get3A_126] {strides = array<i32>} : memref<24x512xi32, #tpu.memory_space<vmem>>, vector<16xi32>,
        %add3A_128 = arith.addi %mul3A_85, %get3A_124 : vector<16xi32>
        tpu.vector_store_idx %arg5[%add3A_128], %broadcast_in_dim3A_8 {add = true} : memref<65536xf32, #tpu.memory_space<vmem>>[vector<16xi32>], vector<16xf32>,
        %add3A_129 = arith.addi %mul3A_90, %get3A_127 : vector<16xi32>
        tpu.vector_store_idx %arg5[%add3A_129], %broadcast_in_dim3A_8 {add = true} : memref<65536xf32, #tpu.memory_space<vmem>>[vector<16xi32>], vector<16xf32>,
        %scan3A_130 = arith.constant 0 : i32
        %scan3A_131 = arith.constant 3 : i32
        %scan3A_132 = arith.addi %scan3A_99, %scan3A_131 : i32
        %get3A_133 = arith.index_cast %scan3A_132 : i32 to index
        %get3A_134 = arith.index_cast %add3A_74 : i32 to index
        %get3A_135 = tpu.vector_load %arg4[%get3A_133, %get3A_134] {strides = array<i32>} : memref<24x512xi32, #tpu.memory_space<vmem>>, vector<16xi32>,
        %get3A_136 = arith.index_cast %scan3A_132 : i32 to index
        %get3A_137 = arith.index_cast %add3A_80 : i32 to index
        %get3A_138 = tpu.vector_load %arg4[%get3A_136, %get3A_137] {strides = array<i32>} : memref<24x512xi32, #tpu.memory_space<vmem>>, vector<16xi32>,
        %add3A_139 = arith.addi %mul3A_85, %get3A_135 : vector<16xi32>
        tpu.vector_store_idx %arg5[%add3A_139], %broadcast_in_dim3A_8 {add = true} : memref<65536xf32, #tpu.memory_space<vmem>>[vector<16xi32>], vector<16xf32>,
        %add3A_140 = arith.addi %mul3A_90, %get3A_138 : vector<16xi32>
        tpu.vector_store_idx %arg5[%add3A_140], %broadcast_in_dim3A_8 {add = true} : memref<65536xf32, #tpu.memory_space<vmem>>[vector<16xi32>], vector<16xf32>,
        %scan3A_141 = arith.constant 0 : i32
        scf.yield %scan3A_141 : i32
      }
      %scan3A_97 = arith.constant 20 : i32
      %scan3A_98 = arith.constant 0 : i32
      scf.yield %scan3A_98 : i32
    }
    %scan3A_46 = arith.constant 8 : i32
    %add3A_47 = arith.constant 256 : i32
    %add3A_48 = arith.addi %mul3A_2, %add3A_47 : i32
    %mul3A_49 = arith.constant 128 : i32
    %mul3A_50 = arith.muli %add3A_48, %mul3A_49 : i32
    %dma_start3A_51 = arith.constant 32768 : i32
    %dma_start3A_52 = tpu.memref_slice %arg5[%dma_start3A_51] : memref<65536xf32, #tpu.memory_space<vmem>> -> memref<32768xf32, #tpu.memory_space<vmem>>
    %dma_start3A_53 = tpu.memref_slice %arg3[%mul3A_50] : memref<2097152xf32, #tpu.memory_space<hbm>> -> memref<32768xf32, #tpu.memory_space<hbm>>
    %dma_start3A_54 = tpu.memref_slice %arg3[%mul3A_50] : memref<2097152xf32, #tpu.memory_space<hbm>> -> memref<32768xf32, #tpu.memory_space<hbm>>
    %dma_start3A_55 = arith.constant 32768 : i32
    %dma_start3A_56 = tpu.memref_slice %arg5[%dma_start3A_55] : memref<65536xf32, #tpu.memory_space<vmem>> -> memref<32768xf32, #tpu.memory_space<vmem>>
    tpu.enqueue_dma source(%dma_start3A_56 : memref<32768xf32, #tpu.memory_space<vmem>>) target(%dma_start3A_54 : memref<32768xf32, #tpu.memory_space<hbm>>) target_semaphore(%arg7 : memref<!tpu.dma_semaphore, #tpu.memory_space<semaphore_mem>>)
    %dma_wait3A_57 = arith.constant 0 : i32
    %dma_wait3A_58 = tpu.memref_slice %arg5[%dma_wait3A_57] : memref<65536xf32, #tpu.memory_space<vmem>> -> memref<32768xf32, #tpu.memory_space<vmem>>
    %dma_wait3A_59 = tpu.memref_slice %arg3[%mul3A_26] : memref<2097152xf32, #tpu.memory_space<hbm>> -> memref<32768xf32, #tpu.memory_space<hbm>>
    %dma_wait3A_60 = tpu.memref_slice %arg3[%mul3A_26] : memref<2097152xf32, #tpu.memory_space<hbm>> -> memref<32768xf32, #tpu.memory_space<hbm>>
    %dma_wait3A_61 = arith.constant 0 : i32
    %dma_wait3A_62 = tpu.memref_slice %arg5[%dma_wait3A_61] : memref<65536xf32, #tpu.memory_space<vmem>> -> memref<32768xf32, #tpu.memory_space<vmem>>
    tpu.wait_dma2 semaphore(%arg7 : memref<!tpu.dma_semaphore, #tpu.memory_space<semaphore_mem>>) src(%dma_wait3A_62 : memref<32768xf32, #tpu.memory_space<vmem>>) dst(%dma_wait3A_60 : memref<32768xf32, #tpu.memory_space<hbm>>)
    %dma_wait3A_63 = arith.constant 32768 : i32
    %dma_wait3A_64 = tpu.memref_slice %arg5[%dma_wait3A_63] : memref<65536xf32, #tpu.memory_space<vmem>> -> memref<32768xf32, #tpu.memory_space<vmem>>
    %dma_wait3A_65 = tpu.memref_slice %arg3[%mul3A_50] : memref<2097152xf32, #tpu.memory_space<hbm>> -> memref<32768xf32, #tpu.memory_space<hbm>>
    %dma_wait3A_66 = tpu.memref_slice %arg3[%mul3A_50] : memref<2097152xf32, #tpu.memory_space<hbm>> -> memref<32768xf32, #tpu.memory_space<hbm>>
    %dma_wait3A_67 = arith.constant 32768 : i32
    %dma_wait3A_68 = tpu.memref_slice %arg5[%dma_wait3A_67] : memref<65536xf32, #tpu.memory_space<vmem>> -> memref<32768xf32, #tpu.memory_space<vmem>>
    tpu.wait_dma2 semaphore(%arg7 : memref<!tpu.dma_semaphore, #tpu.memory_space<semaphore_mem>>) src(%dma_wait3A_68 : memref<32768xf32, #tpu.memory_space<vmem>>) dst(%dma_wait3A_66 : memref<32768xf32, #tpu.memory_space<hbm>>)
    return
  }
}

module attributes {stable_mosaic.version = 14 : i64} {
  func.func @body(%arg0: i32, %arg1: memref<8192x128xf32, #tpu.memory_space<vmem>>, %arg2: memref<128x256xf32, #tpu.memory_space<vmem>>, %arg3: memref<1x256xf32, #tpu.memory_space<vmem>>, %arg4: memref<256x256xf32, #tpu.memory_space<vmem>>, %arg5: memref<1x256xf32, #tpu.memory_space<vmem>>, %arg6: memref<8192x256xf32, #tpu.memory_space<vmem>>) attributes {dimension_semantics = [#tpu.dimension_semantics<arbitrary>], iteration_bounds = array<i64: 2>, scalar_prefetch = 0 : i64, scratch_operands = 0 : i64, tpu.core_type = #tpu.core_type<tc>, window_params = [{transform_indices = @transform_0, window_bounds = array<i64: 8192, 128>}, {pipeline_mode = #tpu.pipeline_mode<synchronous>, transform_indices = @transform_1, window_bounds = array<i64: 128, 256>}, {pipeline_mode = #tpu.pipeline_mode<synchronous>, transform_indices = @transform_2, window_bounds = array<i64: 1, 256>}, {pipeline_mode = #tpu.pipeline_mode<synchronous>, transform_indices = @transform_3, window_bounds = array<i64: 256, 256>}, {pipeline_mode = #tpu.pipeline_mode<synchronous>, transform_indices = @transform_4, window_bounds = array<i64: 1, 256>}, {transform_indices = @transform_5, window_bounds = array<i64: 8192, 256>}]} {
    %get3A = arith.constant 0 : index
    %get3A_0 = arith.constant 0 : index
    %get3A_1 = vector.load %arg1[%get3A, %get3A_0] : memref<8192x128xf32, #tpu.memory_space<vmem>>, vector<8192x128xf32>
    %iota3A = tpu.iota {dimensions = array<i32: 1>} : vector<1x128xi32>
    %ne3A = arith.constant 84 : i32
    %ne3A_2 = vector.broadcast %ne3A : i32 to vector<1x128xi32>
    %ne3A_3 = arith.cmpi ne, %iota3A, %ne3A_2 : vector<1x128xi32>
    %lt3A = arith.constant 86 : i32
    %lt3A_4 = vector.broadcast %lt3A : i32 to vector<1x128xi32>
    %lt3A_5 = arith.cmpi slt, %iota3A, %lt3A_4 : vector<1x128xi32>
    %and3A = arith.andi %ne3A_3, %lt3A_5 : vector<1x128xi1>
    %jit3A = arith.constant 0.000000e+00 : f32
    %broadcast_in_dim3A = vector.shape_cast %and3A : vector<1x128xi1> to vector<1x128xi1>
    %broadcast_in_dim3A_6 = vector.broadcast %broadcast_in_dim3A : vector<1x128xi1> to vector<8192x128xi1>
    %broadcast_in_dim3A_7 = vector.broadcast %jit3A : f32 to vector<8192x128xf32>
    %select_n3A = arith.select %broadcast_in_dim3A_6, %get3A_1, %broadcast_in_dim3A_7 : vector<8192x128xi1>, vector<8192x128xf32>
    %reduce_sum3A = arith.constant dense<0.000000e+00> : vector<8192xf32>
    %reduce_sum3A_8 = vector.multi_reduction <add>, %select_n3A, %reduce_sum3A [1] : vector<8192x128xf32> to vector<8192xf32>
    %broadcast_in_dim3A_9 = vector.shape_cast %reduce_sum3A_8 : vector<8192xf32> to vector<8192x1xf32>
    %max3A = arith.constant 1.000000e+00 : f32
    %max3A_10 = vector.broadcast %max3A : f32 to vector<8192x1xf32>
    %max3A_11 = arith.maximumf %broadcast_in_dim3A_9, %max3A_10 : vector<8192x1xf32>
    %get3A_12 = arith.constant 0 : index
    %get3A_13 = arith.constant 0 : index
    %get3A_14 = vector.load %arg2[%get3A_12, %get3A_13] : memref<128x256xf32, #tpu.memory_space<vmem>>, vector<128x256xf32>
    %dot_general3A = arith.constant dense<0.000000e+00> : vector<8192x256xf32>
    %dot_general3A_15 = tpu.matmul %select_n3A, %get3A_14, %dot_general3A {dimension_numbers = #tpu.dot_dimension_numbers<[1], [0], [0], [1], [0, 0, 1, 1], [], []>, transpose_lhs_hint = false} : vector<8192x128xf32>, vector<128x256xf32>, vector<8192x256xf32> -> vector<8192x256xf32>
    %div3A = vector.broadcast %max3A_11 : vector<8192x1xf32> to vector<8192x256xf32>
    %div3A_16 = arith.divf %dot_general3A_15, %div3A : vector<8192x256xf32>
    %get3A_17 = arith.constant 0 : index
    %get3A_18 = arith.constant 0 : index
    %get3A_19 = vector.load %arg3[%get3A_17, %get3A_18] : memref<1x256xf32, #tpu.memory_space<vmem>>, vector<1x256xf32>
    %add3A = vector.broadcast %get3A_19 : vector<1x256xf32> to vector<8192x256xf32>
    %add3A_20 = arith.addf %div3A_16, %add3A : vector<8192x256xf32>
    %mul3A = arith.constant 5.000000e-01 : f32
    %mul3A_21 = vector.broadcast %mul3A : f32 to vector<8192x256xf32>
    %mul3A_22 = arith.mulf %mul3A_21, %add3A_20 : vector<8192x256xf32>
    %mul3A_23 = arith.constant 0.707106769 : f32
    %mul3A_24 = vector.broadcast %mul3A_23 : f32 to vector<8192x256xf32>
    %mul3A_25 = arith.mulf %add3A_20, %mul3A_24 : vector<8192x256xf32>
    %erf3A = math.erf %mul3A_25 : vector<8192x256xf32>
    %add3A_26 = arith.constant 1.000000e+00 : f32
    %add3A_27 = vector.broadcast %add3A_26 : f32 to vector<8192x256xf32>
    %add3A_28 = arith.addf %add3A_27, %erf3A : vector<8192x256xf32>
    %mul3A_29 = arith.mulf %mul3A_22, %add3A_28 : vector<8192x256xf32>
    %get3A_30 = arith.constant 0 : index
    %get3A_31 = arith.constant 0 : index
    %get3A_32 = vector.load %arg4[%get3A_30, %get3A_31] : memref<256x256xf32, #tpu.memory_space<vmem>>, vector<256x256xf32>
    %dot_general3A_33 = arith.constant dense<0.000000e+00> : vector<8192x256xf32>
    %dot_general3A_34 = tpu.matmul %mul3A_29, %get3A_32, %dot_general3A_33 {dimension_numbers = #tpu.dot_dimension_numbers<[1], [0], [0], [1], [0, 0, 1, 1], [], []>, transpose_lhs_hint = false} : vector<8192x256xf32>, vector<256x256xf32>, vector<8192x256xf32> -> vector<8192x256xf32>
    %get3A_35 = arith.constant 0 : index
    %get3A_36 = arith.constant 0 : index
    %get3A_37 = vector.load %arg5[%get3A_35, %get3A_36] : memref<1x256xf32, #tpu.memory_space<vmem>>, vector<1x256xf32>
    %add3A_38 = vector.broadcast %get3A_37 : vector<1x256xf32> to vector<8192x256xf32>
    %add3A_39 = arith.addf %dot_general3A_34, %add3A_38 : vector<8192x256xf32>
    %swap3A = arith.constant 0 : index
    %swap3A_40 = arith.constant 0 : index
    %swap3A_41 = vector.load %arg6[%swap3A, %swap3A_40] : memref<8192x256xf32, #tpu.memory_space<vmem>>, vector<8192x256xf32>
    tpu.vector_store %arg6[%swap3A, %swap3A_40], %add3A_39 {strides = array<i32>} : memref<8192x256xf32, #tpu.memory_space<vmem>>, vector<8192x256xf32>,
    return
  }
  func.func @transform_0(%arg0: i32) -> (i32, i32) {
    %c0_i32 = arith.constant 0 : i32
    %c0_i32_0 = arith.constant 0 : i32
    return %arg0, %c0_i32 : i32, i32
  }
  func.func @transform_1(%arg0: i32) -> (i32, i32) {
    %c0_i32 = arith.constant 0 : i32
    %c0_i32_0 = arith.constant 0 : i32
    %c0_i32_1 = arith.constant 0 : i32
    return %c0_i32, %c0_i32_0 : i32, i32
  }
  func.func @transform_2(%arg0: i32) -> (i32, i32) {
    %c0_i32 = arith.constant 0 : i32
    %c0_i32_0 = arith.constant 0 : i32
    %c0_i32_1 = arith.constant 0 : i32
    return %c0_i32, %c0_i32_0 : i32, i32
  }
  func.func @transform_3(%arg0: i32) -> (i32, i32) {
    %c0_i32 = arith.constant 0 : i32
    %c0_i32_0 = arith.constant 0 : i32
    %c0_i32_1 = arith.constant 0 : i32
    return %c0_i32, %c0_i32_0 : i32, i32
  }
  func.func @transform_4(%arg0: i32) -> (i32, i32) {
    %c0_i32 = arith.constant 0 : i32
    %c0_i32_0 = arith.constant 0 : i32
    %c0_i32_1 = arith.constant 0 : i32
    return %c0_i32, %c0_i32_0 : i32, i32
  }
  func.func @transform_5(%arg0: i32) -> (i32, i32) {
    %c0_i32 = arith.constant 0 : i32
    %c0_i32_0 = arith.constant 0 : i32
    return %arg0, %c0_i32 : i32, i32
  }
}

</mosaic_0001>

<sc_bundles>
// kernel: kernel.4.cloned.1.call-start
scs
__scs_entry_jumppad:
0x0: {  	(pc) =	sbr.rel $0x88, $3  }
0x1: {  	(tag) =	ssettag $0x0;
	lr =	simm.s32 $0x1  }
0x2: {  	[smem:$0x3F9B] =	sst lr;
	_ =	strace $0xD0000000  }
0x3: {  	_ = 	snop  }
0x4: {  	_ = 	snop  }
0x5: {  	_ = 	snop  }
0x6: {  	_ = 	snop  }
0x7: {  	_ = 	snop  }
__scs_overlays_trampoline_lowered:
0x8: {  	[smem:$0x3FAA] =	sst s0  }
0x9: {  	[smem:$0x3FAB] =	sst s1  }
0xa: {  	[smem:$0x3FAC] =	sst s2  }
0xb: {  	[smem:$0x3FAD] =	sst s3  }
0xc: {  	[smem:$0x3FAE] =	sst s4  }
0xd: {  	[smem:$0x3FAF] =	sst s5  }
0xe: {  	[smem:$0x3FB0] =	sst s6  }
0xf: {  	[smem:$0x3FB1] =	sst s7  }
0x10: {  	[smem:$0x3FB2] =	sst s8  }
0x11: {  	[smem:$0x3FB3] =	sst s9;
	s0 =	simm.s32 @!p0 $0x0  }
0x12: {  	s1 =	sld [smem:$0x3F99];
	s0 =	simm.s32 @p0 $0x1  }
0x13: {  	[smem:$0x3FB4] =	sst s0;
	s0 =	simm.s32 @!p1 $0x0  }
0x14: {  	s2 =	sld [smem:$0x3F98];
	s0 =	simm.s32 @p1 $0x1  }
0x15: {  	[smem:$0x3FB5] =	sst s0;
	s0 =	simm.s32 @!p2 $0x0  }
0x16: {  	s3 =	sld [smem:$0x3FDB];
	s0 =	simm.s32 @p2 $0x1  }
0x17: {  	s4 =	simm.s32 $0x1BF5;
	[smem:$0x3FB7] =	sst s0  }
0x18: {  	s0 =	sld [smem:$0x3F9A];
	_ =	swait.ge [sflag:s4], $0x0  }
0x19: {  	s7 =	sld [smem:$0x3F9B]  }
0x1a: {  	s8 =	sadd.s32 $0xFFFFE003, lr  }
0x1b: {  	s9 =	sadd.s32 $0xFFFFFEF7, lr;
	s5 =	simm.s32 $0xFFFFFFFF;
	p2 =	slt.u32 s8, $0xFFFFF086  }
0x1c: {  	p1 =	slt.u32 s9, $0xF7A;
	s5 =	simm.s32 @!p2 $0x0  }
0x1d: {  	s5 =	simm.s32 @p1 $0x1;
	p0 =	seq.s32 s7, s2  }
0x1e: {  	s7 =	smul.u32 @!p0 $0xF7A, s2;
	p2 =	seq.s32 @!p0 s5, $0x0  }
0x1f: {  	s9 =	smul.u32 $0xF7A, s1;
	s8 =	simm.s32 @!p0 $0x1BF5;
	p2 =	por !p2, p0  }
0x20: {  	[sflag:s8] =	ssyncset.s32 @!p0 $0xFFFFF086;
	s6 =	sadd.s32 @!p0 s3, s7;
	s7 =	simm.s32 @!p0 $0x108  }
0x21: {  	s3 =	sadd.s32 s3, s9;
	s6 =	sadd.s32 @!p0 $0x88, s6;
	s7 =	simm.s32 @p2 $0x1082  }
0x22: {  	[simem:s7], [sflag:s8] =	dma.local @!p0 [hbm:s6], $0xF7A  }
0x23: {  	s9 =	sor.u32 $0xD0000000, s2;
	s6 =	simm.s32 $0x108;
	_ =	swait.ge @!p0 [sflag:s8], $0x0  }
0x24: {  	s3 =	sadd.s32 $0x88, s3;
	s6 =	simm.s32 @!p1 $0x1082;
	[sflag:s4] =	ssyncset.s32 $0xFFFFF086  }
0x25: {  	[simem:s6], [sflag:s4] =	dma.local [hbm:s3], $0xF7A  }
0x26: {  	[smem:$0x3F9B] =	sst s1;
	(tag) =	ssettag s2;
	_ =	strace s9  }
0x27: {  	s1 =	sld [smem:$0x3FAB]  }
0x28: {  	s2 =	sld [smem:$0x3FAC]  }
0x29: {  	s4 =	sld [smem:$0x3FAE]  }
0x2a: {  	p0 =	seq.s32 s5, $0x0;
	s5 =	sld [smem:$0x3FAF]  }
0x2b: {  	s6 =	sld [smem:$0x3FB0]  }
0x2c: {  	s7 =	sld [smem:$0x3FB1]  }
0x2d: {  	s3 =	simm.s32 $0x108;
	s8 =	sld [smem:$0x3FB2]  }
0x2e: {  	s3 =	simm.s32 @!p0 $0x1082;
	s9 =	sld [smem:$0x3FB3]  }
0x2f: {  	lr =	sadd.s32 s0, s3;
	s0 =	sld [smem:$0x3FAA]  }
0x30: {  	s3 =	sld [smem:$0x3FAD]  }
0x31: {  	[smem:$0x3FB6] =	sst s10  }
0x32: {  	s10 =	sld [smem:$0x3FB4];
	_ =	sdelay $0x3  }
0x33: {  	p0 =	seq.s32 s10, $0x1;
	s10 =	sld [smem:$0x3FB6];
	_ =	sdelay $0x3  }
0x34: {  	[smem:$0x3FB6] =	sst s10  }
0x35: {  	s10 =	sld [smem:$0x3FB5];
	_ =	sdelay $0x3  }
0x36: {  	p1 =	seq.s32 s10, $0x1;
	s10 =	sld [smem:$0x3FB6];
	_ =	sdelay $0x3  }
0x37: {  	[smem:$0x3FB6] =	sst s10  }
0x38: {  	s10 =	sld [smem:$0x3FB7]  }
0x39: {  	_ = 	snop;
	(pc) =	sbr.ind lr, $3  }
0x3a: {  	_ = 	snop  }
0x3b: {  	_ = 	snop  }
0x3c: {  	p2 =	seq.s32 s10, $0x1;
	s10 =	sld [smem:$0x3FB6]  }
0x3d: {  	_ =	shalt  }
0x3e: {  	_ =	shalt  }
0x3f: {  	_ =	shalt  }
0x40: {  	_ =	shalt  }
0x41: {  	_ =	shalt  }
0x42: {  	_ =	shalt  }
0x43: {  	_ =	shalt  }
0x44: {  	_ =	shalt  }
0x45: {  	_ =	shalt  }
0x46: {  	_ =	shalt  }
0x47: {  	_ =	shalt  }
0x48: {  	_ =	shalt  }
0x49: {  	_ =	shalt  }
0x4a: {  	_ =	shalt  }
0x4b: {  	_ =	shalt  }
0x4c: {  	_ =	shalt  }
0x4d: {  	_ =	shalt  }
0x4e: {  	_ =	shalt  }
0x4f: {  	_ =	shalt  }
0x50: {  	_ =	shalt  }
0x51: {  	_ =	shalt  }
0x52: {  	_ =	shalt  }
0x53: {  	_ =	shalt  }
0x54: {  	_ =	shalt  }
0x55: {  	_ =	shalt  }
0x56: {  	_ =	shalt  }
0x57: {  	_ =	shalt  }
0x58: {  	_ =	shalt  }
0x59: {  	_ =	shalt  }
0x5a: {  	_ =	shalt  }
0x5b: {  	_ =	shalt  }
0x5c: {  	_ =	shalt  }
0x5d: {  	_ =	shalt  }
0x5e: {  	_ =	shalt  }
0x5f: {  	_ =	shalt  }
0x60: {  	_ =	shalt  }
0x61: {  	_ =	shalt  }
0x62: {  	_ =	shalt  }
0x63: {  	_ =	shalt  }
0x64: {  	_ =	shalt  }
0x65: {  	_ =	shalt  }
0x66: {  	_ =	shalt  }
0x67: {  	_ =	shalt  }
0x68: {  	_ =	shalt  }
0x69: {  	_ =	shalt  }
0x6a: {  	_ =	shalt  }
0x6b: {  	_ =	shalt  }
0x6c: {  	_ =	shalt  }
0x6d: {  	_ =	shalt  }
0x6e: {  	_ =	shalt  }
0x6f: {  	_ =	shalt  }
0x70: {  	_ =	shalt  }
0x71: {  	_ =	shalt  }
0x72: {  	_ =	shalt  }
0x73: {  	_ =	shalt  }
0x74: {  	_ =	shalt  }
0x75: {  	_ =	shalt  }
0x76: {  	_ =	shalt  }
0x77: {  	_ =	shalt  }
0x78: {  	_ =	shalt  }
0x79: {  	_ =	shalt  }
0x7a: {  	_ =	shalt  }
0x7b: {  	_ =	shalt  }
0x7c: {  	_ =	shalt  }
0x7d: {  	_ =	shalt  }
0x7e: {  	_ =	shalt  }
0x7f: {  	_ =	shalt  }
0x80: {  	_ =	shalt  }
0x81: {  	_ =	shalt  }
0x82: {  	_ =	shalt  }
0x83: {  	_ =	shalt  }
0x84: {  	_ =	shalt  }
0x85: {  	_ =	shalt  }
0x86: {  	_ =	shalt  }
0x87: {  	_ =	shalt  }
.Lfunc_end0:
.L_simem_size_0:
called_computation_lowered:
.L_overlay_start_0:
0x88: {  	s2 =	sld [smem:$0x3FD9]  }
0x89: {  	s3 =	sld [smem:$0x3FFE];
	_ =	sdelay $0x1  }
0x8a: {  	s1 =	srdreg.scid  }
0x8b: {  	s0 =	sand.u32 $0x1, s1  }
0x8c: {  	s17 =	sshll.u32 s0, $0xA;
	s2 =	sadd.s32 s3, s2  }
0x8d: {  	s2 =	sadd.s32 s2, s17  }
0x8e: {  	[smem:$0x3FC2] =	sst s2  }
0x8f: {  	_ = 	snop  }
0x90: {  	s2 =	sld [smem:$0x3FD0];
	(tm) =	ssettm $0x1  }
0x91: {  	s18 =	sld [smem:$0x3FFB];
	_ =	sdelay $0x3  }
0x92: {  	_ =	strace s18  }
0x93: {  	s3 =	sld [smem:$0x3FFC];
	_ =	sdelay $0x3  }
0x94: {  	_ =	strace s3  }
0x95: {  	s3 =	sld [smem:$0x3FFD];
	_ =	sdelay $0x3  }
0x96: {  	_ =	strace s3  }
0x97: {  	_ =	strace $0x8FFFFFFF  }
0x98: {  	s19 =	sld [smem:$0x3FDB];
	_ =	sdelay $0x1  }
0x99: {  	s4 =	simm.s32 $_scs_section_size  }
0x9a: {  	s5 =	simm.s32 $_size__tile_overlayer_lowered;
	s6 =	simm.s32 $_tile_overlayer_lowered  }
0x9b: {  	s22 =	simm.s32 $0x1BFF;
	s21 =	sshll.u32 s6, $0x1;
	s3 =	sadd.s32 s4, s19  }
0x9c: {  	s7 =	simm.s32 $0x0;
	s20 =	sshll.u32 s5, $0x1;
	s5 =	sadd.s32 s21, s3  }
0x9d: {  	[timem:s7], [sflag:s22] =	dma.local [hbm:s5], s20  }
0x9e: {  	_ =	swait.ge [sflag:s22], s20  }
0x9f: {  	s4 =	ssub.s32 $0x0, s20;
	[sflag:s22] =	ssyncset.done $0x0  }
0xa0: {  	[sflag:s22] =	ssyncadd.s32 s4;
	_ =	sdelay $0x1  }
0xa1: {  	s23 =	simm.s32 $0x1B8B  }
0xa2: {  	_ =	swait.ge [sflag:s23], $0x1  }
0xa3: {  	[sflag:s23] =	ssyncset.done $0x0  }
0xa4: {  	s25 =	simm.s32 $0x1B8E;
	s24 =	sld [smem:$0x3FFE];
	[sflag:s23] =	ssyncadd.s32 $0xFFFFFFFF  }
0xa5: {  	s26 =	simm.s32 $execute0_lowered;
	[smem:$0x3FD2] =	sst s25  }
0xa6: {  	s5 =	sshll.u32 s26, $0x1;
	_ =	strace $0x80000046;
	[dreg:$0x1] =	wrdreg $0xFFFFFFFF  }
0xa7: {  	s28 =	simm.s32 $_size_execute0_lowered;
	s3 =	sadd.s32 s3, s5;
	[dreg:$0x0] =	wrdreg $0x0  }
0xa8: {  	s5 =	sshll.u32 s28, $0x1;
	[dreg:$0x2] =	wrdreg s3  }
0xa9: {  	[dreg:$0x3] =	wrdreg s5  }
0xaa: {  	[dreg:$0x4] =	wrdreg $0xC0  }
0xab: {  	_ =	task [dreg:s7], $0x5FFFF  }
0xac: {  	[dreg:$0x1] =	wrdreg $0xFFFFFFFF  }
0xad: {  	[dreg:$0x0] =	wrdreg $0x60  }
0xae: {  	[dreg:$0x2] =	wrdreg s24  }
0xaf: {  	[dreg:$0x3] =	wrdreg s2  }
0xb0: {  	[dreg:$0x4] =	wrdreg $0x9  }
0xb1: {  	_ =	task.clear_ibuf [dreg:s7], $0x5FFFF;
	_ =	strace $0x90000046  }
0xb2: {  	s29 =	simm.s32 $0x9;
	_ =	strace $0x80000048  }
0xb3: {  	_ =	swait.ge [sflag:s29], $0x1  }
0xb4: {  	[sflag:s29] =	ssyncadd.s32 $0xFFFFFFFF  }
0xb5: {  	_ =	strace $0x90000048  }
0xb6: {  	_ =	sfence  }
0xb7: {  	s30 =	sld [smem:$0x0];
	_ =	sdelay $0x2  }
0xb8: {  	s31 =	sshll.u32 s1, $0xD;
	s1 =	sshrl.u32 s1, $0x2  }
0xb9: {  	s3 =	sand.u32 $0x4000, s31;
	s1 =	sadd.s32 s1, s30  }
0xba: {  	s0 =	sor.u32 s3, s0;
	s1 =	sshll.u32 s1, $0x11  }
0xbb: {  	s0 =	sor.u32 s1, s0  }
0xbc: {  	s0 =	sadd.s32 $0x8F2B, s0  }
0xbd: {  	[sflag:s0] =	ssyncadd.remote.s32 $0x1  }
0xbe: {  	_ =	sfence.sel $0xFFFF  }
0xbf: {  	[dreg:$0x0] =	wrdreg $0xFFFFFFFF;
	(pc) =	sbr.abs _section_cstart, $3  }
0xc0: {  	[dreg:$0x1] =	wrdreg $0xFFFFFFFF  }
0xc1: {  	_ =	task.clear_ibuf [dreg:s7], $0x2FFFF;
	_ =	strace $0x9FFFFFFF  }
0xc2: {  	(tm) =	ssettm $0x7FFFFFFF  }
0xc3: {  	_ =	shalt  }
tec
execute0_lowered:
.L_overlay_start_1:
0x0: {  	(tag) =	ssettag $0x1  }
0x1: {  	s3 =	rddreg [dreg:$0x0]  }
0x2: {  	s4 =	rddreg [dreg:$0x1]  }
0x3: {  	s0 =	rddreg [dreg:$0x2];
	s5 =	srdreg.scid  }
0x4: {  	s1 =	stileid.u32;
	s2 =	simm.s32 $0x0;
	s8 =	simm.s32 $0x20000  }
0x5: {  	s9 =	simm.s32 $0x1;
	s10 =	simm.s32 $0x3000;
	s11 =	simm.s32 $0xB000  }
0x6: {  	s12 =	simm.s32 $0x2;
	s5 =	sand.u32 $0x1, s5;
	s6 =	sshll.u32 s1, $0x1  }
0x7: {  	s13 =	simm.s32 $0x0;
	[smem:$0x7FF] =	sst s2;
	s6 =	sor.u32 s5, s6  }
0x8: {  	_ =	strace $0x80000047;
	s5 =	ssub.s32 $0x2, s5;
	s7 =	sshll.u32 s6, $0x9  }
0x9: {  	s31 =	sshrl.u32 s5, $0x1;
	s6 =	sshll.u32 s6, $0xD;
	s3 =	sadd.s32 s7, s3  }
0xa: {  	v1 =	vlaneseq.u32;
	s7 =	ssub.s32 s5, s31;
	s4 =	sadd.s32 s4, s6;
	s3 =	sadd.s32 $0x1000, s3  }
0xb: {  	v0 =	vimm.f32 $0.0e+00;
	v2 =	vimm.f32 $1.000000000e+00;
	v1 =	vmul.u32 $0x80, v1;
	s5 =	sadd.s32 $0x1000, s4;
	s6 =	smax.u32 s7, $0x1;
	s7 =	simm.s32 $0x1000  }
.LBB2_1:
0xc: {  	[tilespmem:s2], [sflag:$0x1] =	stream.strided.gather [hbm4b:s3+s7], $0x3000, s8, s7, $0x38;
	[tilespmem:$0x13000] =	vst v63  }
0xd: {  	s14 =	simm.s32 $0x3100  }
0xe: {  	[tilespmem:s14+$0xFFFFFF00] =	vst v0  }
0xf: {  	[tilespmem:s14+$0xD0] =	vst v0  }
0x10: {  	[tilespmem:s14+$0xC0] =	vst v0  }
0x11: {  	[tilespmem:s14+$0xB0] =	vst v0  }
0x12: {  	[tilespmem:s14+$0xA0] =	vst v0  }
0x13: {  	[tilespmem:s14+$0x90] =	vst v0  }
0x14: {  	[tilespmem:s14+$0x80] =	vst v0  }
0x15: {  	[tilespmem:s14+$0x50] =	vst v0  }
0x16: {  	[tilespmem:s14+$0x40] =	vst v0  }
0x17: {  	[tilespmem:s14+$0x30] =	vst v0  }
0x18: {  	[tilespmem:s14+$0x20] =	vst v0  }
0x19: {  	[tilespmem:s14+$0x10] =	vst v0  }
0x1a: {  	[tilespmem:s14+$0x0] =	vst v0  }
0x1b: {  	[tilespmem:s14+$0xFFFFFFD0] =	vst v0  }
0x1c: {  	[tilespmem:s14+$0xFFFFFFC0] =	vst v0  }
0x1d: {  	[tilespmem:s14+$0xFFFFFFB0] =	vst v0  }
0x1e: {  	[tilespmem:s14+$0xFFFFFFA0] =	vst v0  }
0x1f: {  	[tilespmem:s14+$0xFFFFFF90] =	vst v0  }
0x20: {  	[tilespmem:s14+$0xFFFFFF80] =	vst v0  }
0x21: {  	[tilespmem:s14+$0xFFFFFF50] =	vst v0  }
0x22: {  	[tilespmem:s14+$0xFFFFFF40] =	vst v0  }
0x23: {  	[tilespmem:s14+$0xFFFFFF30] =	vst v0  }
0x24: {  	s15 =	simm.s32 $0x0;
	[tilespmem:s14+$0xFFFFFF20] =	vst v0  }
.LBB2_2:
0x25: {  	s15 =	sadd.s32 $0x4, s15;
	[tilespmem:s14+$0xFFFFFF10] =	vst v0;
	s14 =	sadd.s32 $0x200, s14  }
0x26: {  	[tilespmem:s14+$0xFFFFFF00] =	vst v0;
	p0 =	slt.u32 s15, $0xFC  }
0x27: {  	[tilespmem:s14+$0xD0] =	vst v0  }
0x28: {  	[tilespmem:s14+$0xC0] =	vst v0  }
0x29: {  	[tilespmem:s14+$0xB0] =	vst v0  }
0x2a: {  	[tilespmem:s14+$0xA0] =	vst v0  }
0x2b: {  	[tilespmem:s14+$0x90] =	vst v0  }
0x2c: {  	[tilespmem:s14+$0x80] =	vst v0  }
0x2d: {  	[tilespmem:s14+$0x50] =	vst v0  }
0x2e: {  	[tilespmem:s14+$0x40] =	vst v0  }
0x2f: {  	[tilespmem:s14+$0x30] =	vst v0  }
0x30: {  	[tilespmem:s14+$0x20] =	vst v0  }
0x31: {  	[tilespmem:s14+$0x10] =	vst v0  }
0x32: {  	[tilespmem:s14+$0x0] =	vst v0  }
0x33: {  	[tilespmem:s14+$0xFFFFFFD0] =	vst v0  }
0x34: {  	[tilespmem:s14+$0xFFFFFFC0] =	vst v0  }
0x35: {  	[tilespmem:s14+$0xFFFFFFB0] =	vst v0  }
0x36: {  	[tilespmem:s14+$0xFFFFFFA0] =	vst v0  }
0x37: {  	[tilespmem:s14+$0xFFFFFF90] =	vst v0  }
.Ltmp0:
0x38: {  	[tilespmem:s14+$0xFFFFFF80] =	vst v0;
	(pc) =	sbr.rel @p0 .LBB2_2-.Ltmp0, $4  }
0x39: {  	[tilespmem:s14+$0xFFFFFF50] =	vst v0  }
0x3a: {  	[tilespmem:s14+$0xFFFFFF40] =	vst v0  }
0x3b: {  	[tilespmem:s14+$0xFFFFFF30] =	vst v0  }
0x3c: {  	[tilespmem:s14+$0xFFFFFF20] =	vst v0  }
0x3d: {  	[tilespmem:s14+$0xFFFFFF10] =	vst v0  }
0x3e: {  	_ =	swait.ge [sflag:s9], $0x3000  }
0x3f: {  	[sflag:s9] =	ssyncset.done $0x0  }
0x40: {  	s14 =	simm.s32 $0x0;
	s15 =	simm.s32 $0x1300;
	[sflag:s9] =	ssyncadd.s32 $0xFFFFD000  }
.LBB2_4:
0x41: {  	v3 =	vld [tilespmem:s15+$0xFFFFED00]  }
0x42: {  	v4 =	vld [tilespmem:s15+$0xFFFFF100]  }
0x43: {  	s16 =	sadd.s32 $0x80, s14;
	v5 =	vmov s14  }
0x44: {  	v5 =	vshll.u32 v5, $0x7;
	v6 =	vmov s16  }
0x45: {  	v5 =	vor.u32 v1, v5;
	v6 =	vshll.u32 v6, $0x7  }
0x46: {  	v6 =	vor.u32 v1, v6;
	v3 =	vadd.s32 v5, v3  }
0x47: {  	v4 =	vadd.s32 v6, v4;
	_ =	sdelay $0x3  }
0x48: {  	[tilespmem:v3+s10+$0x0] =	vst.idx.add.f32.msk $0xffff, v2  }
0x49: {  	[tilespmem:v4+s10+$0x0] =	vst.idx.add.f32.msk $0xffff, v2  }
0x4a: {  	v3 =	vld [tilespmem:s15+$0xFFFFED80]  }
0x4b: {  	v4 =	vld [tilespmem:s15+$0xFFFFF180];
	_ =	sdelay $0x3  }
0x4c: {  	v3 =	vadd.s32 v5, v3  }
0x4d: {  	v4 =	vadd.s32 v6, v4;
	_ =	sdelay $0x3  }
0x4e: {  	[tilespmem:v3+s10+$0x0] =	vst.idx.add.f32.msk $0xffff, v2  }
0x4f: {  	[tilespmem:v4+s10+$0x0] =	vst.idx.add.f32.msk $0xffff, v2  }
0x50: {  	v3 =	vld [tilespmem:s15+$0xFFFFEE00]  }
0x51: {  	v4 =	vld [tilespmem:s15+$0xFFFFF200];
	_ =	sdelay $0x3  }
0x52: {  	v3 =	vadd.s32 v5, v3  }
0x53: {  	v4 =	vadd.s32 v6, v4;
	_ =	sdelay $0x3  }
0x54: {  	[tilespmem:v3+s10+$0x0] =	vst.idx.add.f32.msk $0xffff, v2  }
0x55: {  	[tilespmem:v4+s10+$0x0] =	vst.idx.add.f32.msk $0xffff, v2  }
0x56: {  	v3 =	vld [tilespmem:s15+$0xFFFFEE80]  }
0x57: {  	v4 =	vld [tilespmem:s15+$0xFFFFF280];
	_ =	sdelay $0x3  }
0x58: {  	v3 =	vadd.s32 v5, v3  }
0x59: {  	v4 =	vadd.s32 v6, v4;
	_ =	sdelay $0x3  }
0x5a: {  	[tilespmem:v3+s10+$0x0] =	vst.idx.add.f32.msk $0xffff, v2  }
0x5b: {  	[tilespmem:v4+s10+$0x0] =	vst.idx.add.f32.msk $0xffff, v2  }
0x5c: {  	v3 =	vld [tilespmem:s15+$0xFFFFEF00]  }
0x5d: {  	v4 =	vld [tilespmem:s15+$0xFFFFF300];
	_ =	sdelay $0x3  }
0x5e: {  	v3 =	vadd.s32 v5, v3  }
0x5f: {  	v4 =	vadd.s32 v6, v4;
	_ =	sdelay $0x3  }
0x60: {  	[tilespmem:v3+s10+$0x0] =	vst.idx.add.f32.msk $0xffff, v2  }
0x61: {  	[tilespmem:v4+s10+$0x0] =	vst.idx.add.f32.msk $0xffff, v2  }
0x62: {  	v3 =	vld [tilespmem:s15+$0xFFFFEF80]  }
0x63: {  	v4 =	vld [tilespmem:s15+$0xFFFFF380];
	_ =	sdelay $0x3  }
0x64: {  	v3 =	vadd.s32 v5, v3  }
0x65: {  	v4 =	vadd.s32 v6, v4;
	_ =	sdelay $0x3  }
0x66: {  	[tilespmem:v3+s10+$0x0] =	vst.idx.add.f32.msk $0xffff, v2  }
0x67: {  	[tilespmem:v4+s10+$0x0] =	vst.idx.add.f32.msk $0xffff, v2  }
0x68: {  	v3 =	vld [tilespmem:s15+$0xFFFFF000]  }
0x69: {  	v4 =	vld [tilespmem:s15+$0xFFFFF400];
	_ =	sdelay $0x3  }
0x6a: {  	v3 =	vadd.s32 v5, v3  }
0x6b: {  	v4 =	vadd.s32 v6, v4;
	_ =	sdelay $0x3  }
0x6c: {  	[tilespmem:v3+s10+$0x0] =	vst.idx.add.f32.msk $0xffff, v2  }
0x6d: {  	[tilespmem:v4+s10+$0x0] =	vst.idx.add.f32.msk $0xffff, v2  }
0x6e: {  	v3 =	vld [tilespmem:s15+$0xFFFFF080]  }
0x6f: {  	v4 =	vld [tilespmem:s15+$0xFFFFF480];
	_ =	sdelay $0x3  }
0x70: {  	v3 =	vadd.s32 v5, v3  }
0x71: {  	v4 =	vadd.s32 v6, v4;
	_ =	sdelay $0x3  }
0x72: {  	[tilespmem:v3+s10+$0x0] =	vst.idx.add.f32.msk $0xffff, v2  }
0x73: {  	[tilespmem:v4+s10+$0x0] =	vst.idx.add.f32.msk $0xffff, v2  }
0x74: {  	v3 =	vld [tilespmem:s15+$0xFFFFFD00]  }
0x75: {  	v4 =	vld [tilespmem:s15+$0x100];
	_ =	sdelay $0x3  }
0x76: {  	v3 =	vadd.s32 v5, v3  }
0x77: {  	v4 =	vadd.s32 v6, v4;
	_ =	sdelay $0x3  }
0x78: {  	[tilespmem:v3+s10+$0x0] =	vst.idx.add.f32.msk $0xffff, v2  }
0x79: {  	[tilespmem:v4+s10+$0x0] =	vst.idx.add.f32.msk $0xffff, v2  }
0x7a: {  	v3 =	vld [tilespmem:s15+$0xFFFFFD80]  }
0x7b: {  	v4 =	vld [tilespmem:s15+$0x180];
	_ =	sdelay $0x3  }
0x7c: {  	v3 =	vadd.s32 v5, v3  }
0x7d: {  	v4 =	vadd.s32 v6, v4;
	_ =	sdelay $0x3  }
0x7e: {  	[tilespmem:v3+s10+$0x0] =	vst.idx.add.f32.msk $0xffff, v2  }
0x7f: {  	[tilespmem:v4+s10+$0x0] =	vst.idx.add.f32.msk $0xffff, v2  }
0x80: {  	v3 =	vld [tilespmem:s15+$0xFFFFFE00]  }
0x81: {  	v4 =	vld [tilespmem:s15+$0x200];
	_ =	sdelay $0x3  }
0x82: {  	v3 =	vadd.s32 v5, v3  }
0x83: {  	v4 =	vadd.s32 v6, v4;
	_ =	sdelay $0x3  }
0x84: {  	[tilespmem:v3+s10+$0x0] =	vst.idx.add.f32.msk $0xffff, v2  }
0x85: {  	[tilespmem:v4+s10+$0x0] =	vst.idx.add.f32.msk $0xffff, v2  }
0x86: {  	v3 =	vld [tilespmem:s15+$0xFFFFFE80]  }
0x87: {  	v4 =	vld [tilespmem:s15+$0x280];
	_ =	sdelay $0x3  }
0x88: {  	v3 =	vadd.s32 v5, v3  }
0x89: {  	v4 =	vadd.s32 v6, v4;
	_ =	sdelay $0x3  }
0x8a: {  	[tilespmem:v3+s10+$0x0] =	vst.idx.add.f32.msk $0xffff, v2  }
0x8b: {  	[tilespmem:v4+s10+$0x0] =	vst.idx.add.f32.msk $0xffff, v2  }
0x8c: {  	v3 =	vld [tilespmem:s15+$0xFFFFFF00]  }
0x8d: {  	v4 =	vld [tilespmem:s15+$0x300];
	_ =	sdelay $0x3  }
0x8e: {  	v3 =	vadd.s32 v5, v3  }
0x8f: {  	v4 =	vadd.s32 v6, v4;
	_ =	sdelay $0x3  }
0x90: {  	[tilespmem:v3+s10+$0x0] =	vst.idx.add.f32.msk $0xffff, v2  }
0x91: {  	[tilespmem:v4+s10+$0x0] =	vst.idx.add.f32.msk $0xffff, v2  }
0x92: {  	v3 =	vld [tilespmem:s15+$0xFFFFFF80]  }
0x93: {  	v4 =	vld [tilespmem:s15+$0x380];
	_ =	sdelay $0x3  }
0x94: {  	v3 =	vadd.s32 v5, v3  }
0x95: {  	v4 =	vadd.s32 v6, v4;
	_ =	sdelay $0x3  }
0x96: {  	[tilespmem:v3+s10+$0x0] =	vst.idx.add.f32.msk $0xffff, v2  }
0x97: {  	[tilespmem:v4+s10+$0x0] =	vst.idx.add.f32.msk $0xffff, v2  }
0x98: {  	v3 =	vld [tilespmem:s15+$0x0]  }
0x99: {  	v4 =	vld [tilespmem:s15+$0x400];
	_ =	sdelay $0x3  }
0x9a: {  	v3 =	vadd.s32 v5, v3  }
0x9b: {  	v4 =	vadd.s32 v6, v4;
	_ =	sdelay $0x3  }
0x9c: {  	[tilespmem:v3+s10+$0x0] =	vst.idx.add.f32.msk $0xffff, v2  }
0x9d: {  	[tilespmem:v4+s10+$0x0] =	vst.idx.add.f32.msk $0xffff, v2  }
0x9e: {  	v3 =	vld [tilespmem:s15+$0x80]  }
0x9f: {  	v4 =	vld [tilespmem:s15+$0x480];
	_ =	sdelay $0x3  }
0xa0: {  	v3 =	vadd.s32 v5, v3  }
0xa1: {  	v4 =	vadd.s32 v6, v4;
	_ =	sdelay $0x3  }
0xa2: {  	[tilespmem:v3+s10+$0x0] =	vst.idx.add.f32.msk $0xffff, v2  }
0xa3: {  	[tilespmem:v4+s10+$0x0] =	vst.idx.add.f32.msk $0xffff, v2  }
0xa4: {  	v3 =	vld [tilespmem:s15+$0xD00]  }
0xa5: {  	v4 =	vld [tilespmem:s15+$0x1100];
	_ =	sdelay $0x3  }
0xa6: {  	v3 =	vadd.s32 v5, v3  }
0xa7: {  	v4 =	vadd.s32 v6, v4;
	_ =	sdelay $0x3  }
0xa8: {  	[tilespmem:v3+s10+$0x0] =	vst.idx.add.f32.msk $0xffff, v2  }
0xa9: {  	[tilespmem:v4+s10+$0x0] =	vst.idx.add.f32.msk $0xffff, v2  }
0xaa: {  	v3 =	vld [tilespmem:s15+$0xD80]  }
0xab: {  	v4 =	vld [tilespmem:s15+$0x1180];
	_ =	sdelay $0x3  }
0xac: {  	v3 =	vadd.s32 v5, v3  }
0xad: {  	v4 =	vadd.s32 v6, v4;
	_ =	sdelay $0x3  }
0xae: {  	[tilespmem:v3+s10+$0x0] =	vst.idx.add.f32.msk $0xffff, v2  }
0xaf: {  	[tilespmem:v4+s10+$0x0] =	vst.idx.add.f32.msk $0xffff, v2  }
0xb0: {  	v3 =	vld [tilespmem:s15+$0xE00]  }
0xb1: {  	v4 =	vld [tilespmem:s15+$0x1200];
	_ =	sdelay $0x3  }
0xb2: {  	v3 =	vadd.s32 v5, v3  }
0xb3: {  	v4 =	vadd.s32 v6, v4;
	_ =	sdelay $0x3  }
0xb4: {  	[tilespmem:v3+s10+$0x0] =	vst.idx.add.f32.msk $0xffff, v2  }
0xb5: {  	[tilespmem:v4+s10+$0x0] =	vst.idx.add.f32.msk $0xffff, v2  }
0xb6: {  	v3 =	vld [tilespmem:s15+$0xE80]  }
0xb7: {  	v4 =	vld [tilespmem:s15+$0x1280];
	_ =	sdelay $0x3  }
0xb8: {  	v3 =	vadd.s32 v5, v3  }
0xb9: {  	p0 =	sne.s32 s14, $0x70;
	v4 =	vadd.s32 v6, v4  }
.Ltmp1:
0xba: {  	_ = 	snop;
	(pc) =	sbr.rel @p0 .LBB2_4-.Ltmp1, $3  }
0xbb: {  	_ =	sdelay $0x1  }
0xbc: {  	[tilespmem:v3+s10+$0x0] =	vst.idx.add.f32.msk $0xffff, v2  }
0xbd: {  	s14 =	sadd.s32 $0x10, s14;
	s15 =	sadd.s32 $0x10, s15;
	[tilespmem:v4+s10+$0x0] =	vst.idx.add.f32.msk $0xffff, v2  }
0xbe: {  	[hbm4b:s4+s2] =	stream.linear.scatter [tilespmem:s10], [sflag:$0x2], $0x8000, $0x38;
	[tilespmem:$0x13000] =	vst v63  }
0xbf: {  	s16 =	simm.s32 $0xB1D0  }
0xc0: {  	[tilespmem:s16+$0xFFFFFE30] =	vst v0  }
0xc1: {  	[tilespmem:s16+$0x0] =	vst v0  }
0xc2: {  	[tilespmem:s16+$0xFFFFFFF0] =	vst v0  }
0xc3: {  	[tilespmem:s16+$0xFFFFFFE0] =	vst v0  }
0xc4: {  	[tilespmem:s16+$0xFFFFFFD0] =	vst v0  }
0xc5: {  	[tilespmem:s16+$0xFFFFFFC0] =	vst v0  }
0xc6: {  	[tilespmem:s16+$0xFFFFFFB0] =	vst v0  }
0xc7: {  	[tilespmem:s16+$0xFFFFFF80] =	vst v0  }
0xc8: {  	[tilespmem:s16+$0xFFFFFF70] =	vst v0  }
0xc9: {  	[tilespmem:s16+$0xFFFFFF60] =	vst v0  }
0xca: {  	[tilespmem:s16+$0xFFFFFF50] =	vst v0  }
0xcb: {  	[tilespmem:s16+$0xFFFFFF40] =	vst v0  }
0xcc: {  	[tilespmem:s16+$0xFFFFFF30] =	vst v0  }
0xcd: {  	[tilespmem:s16+$0xFFFFFF00] =	vst v0  }
0xce: {  	[tilespmem:s16+$0xFFFFFEF0] =	vst v0  }
0xcf: {  	[tilespmem:s16+$0xFFFFFEE0] =	vst v0  }
0xd0: {  	[tilespmem:s16+$0xFFFFFED0] =	vst v0  }
0xd1: {  	[tilespmem:s16+$0xFFFFFEC0] =	vst v0  }
0xd2: {  	[tilespmem:s16+$0xFFFFFEB0] =	vst v0  }
0xd3: {  	[tilespmem:s16+$0xFFFFFE80] =	vst v0  }
0xd4: {  	[tilespmem:s16+$0xFFFFFE70] =	vst v0  }
0xd5: {  	[tilespmem:s16+$0xFFFFFE60] =	vst v0  }
0xd6: {  	s17 =	simm.s32 $0x0;
	s14 =	simm.s32 $0x1800;
	[tilespmem:s16+$0xFFFFFE50] =	vst v0  }
.LBB2_6:
0xd7: {  	s17 =	sadd.s32 $0x4, s17;
	[tilespmem:s16+$0xFFFFFE40] =	vst v0;
	s16 =	sadd.s32 $0x200, s16;
	s15 =	simm.s32 $0x100  }
0xd8: {  	[tilespmem:s16+$0xFFFFFE30] =	vst v0;
	p0 =	slt.u32 s17, $0xFC  }
0xd9: {  	[tilespmem:s16+$0x0] =	vst v0  }
0xda: {  	[tilespmem:s16+$0xFFFFFFF0] =	vst v0  }
0xdb: {  	[tilespmem:s16+$0xFFFFFFE0] =	vst v0  }
0xdc: {  	[tilespmem:s16+$0xFFFFFFD0] =	vst v0  }
0xdd: {  	[tilespmem:s16+$0xFFFFFFC0] =	vst v0  }
0xde: {  	[tilespmem:s16+$0xFFFFFFB0] =	vst v0  }
0xdf: {  	[tilespmem:s16+$0xFFFFFF80] =	vst v0  }
0xe0: {  	[tilespmem:s16+$0xFFFFFF70] =	vst v0  }
0xe1: {  	[tilespmem:s16+$0xFFFFFF60] =	vst v0  }
0xe2: {  	[tilespmem:s16+$0xFFFFFF50] =	vst v0  }
0xe3: {  	[tilespmem:s16+$0xFFFFFF40] =	vst v0  }
0xe4: {  	[tilespmem:s16+$0xFFFFFF30] =	vst v0  }
0xe5: {  	[tilespmem:s16+$0xFFFFFF00] =	vst v0  }
0xe6: {  	[tilespmem:s16+$0xFFFFFEF0] =	vst v0  }
0xe7: {  	[tilespmem:s16+$0xFFFFFEE0] =	vst v0  }
0xe8: {  	[tilespmem:s16+$0xFFFFFED0] =	vst v0  }
0xe9: {  	[tilespmem:s16+$0xFFFFFEC0] =	vst v0  }
.Ltmp2:
0xea: {  	[tilespmem:s16+$0xFFFFFEB0] =	vst v0;
	(pc) =	sbr.rel @p0 .LBB2_6-.Ltmp2, $4  }
0xeb: {  	[tilespmem:s16+$0xFFFFFE80] =	vst v0  }
0xec: {  	[tilespmem:s16+$0xFFFFFE70] =	vst v0  }
0xed: {  	[tilespmem:s16+$0xFFFFFE60] =	vst v0  }
0xee: {  	[tilespmem:s16+$0xFFFFFE50] =	vst v0  }
0xef: {  	[tilespmem:s16+$0xFFFFFE40] =	vst v0  }
.LBB2_8:
0xf0: {  	v3 =	vld [tilespmem:s14+$0xFFFFF000]  }
0xf1: {  	v4 =	vld [tilespmem:s14+$0xFFFFF400]  }
0xf2: {  	s16 =	sadd.s32 $0x80, s15;
	v5 =	vmov s15  }
0xf3: {  	v5 =	vshll.u32 v5, $0x7;
	v6 =	vmov s16  }
0xf4: {  	v5 =	vor.u32 v1, v5;
	v6 =	vshll.u32 v6, $0x7  }
0xf5: {  	v6 =	vor.u32 v1, v6;
	v3 =	vadd.s32 v5, v3  }
0xf6: {  	v4 =	vadd.s32 v6, v4;
	_ =	sdelay $0x3  }
0xf7: {  	[tilespmem:v3+s10+$0x0] =	vst.idx.add.f32.msk $0xffff, v2  }
0xf8: {  	[tilespmem:v4+s10+$0x0] =	vst.idx.add.f32.msk $0xffff, v2  }
0xf9: {  	v3 =	vld [tilespmem:s14+$0xFFFFF080]  }
0xfa: {  	v4 =	vld [tilespmem:s14+$0xFFFFF480];
	_ =	sdelay $0x3  }
0xfb: {  	v3 =	vadd.s32 v5, v3  }
0xfc: {  	v4 =	vadd.s32 v6, v4;
	_ =	sdelay $0x3  }
0xfd: {  	[tilespmem:v3+s10+$0x0] =	vst.idx.add.f32.msk $0xffff, v2  }
0xfe: {  	[tilespmem:v4+s10+$0x0] =	vst.idx.add.f32.msk $0xffff, v2  }
0xff: {  	v3 =	vld [tilespmem:s14+$0xFFFFF100]  }
0x100: {  	v4 =	vld [tilespmem:s14+$0xFFFFF500];
	_ =	sdelay $0x3  }
0x101: {  	v3 =	vadd.s32 v5, v3  }
0x102: {  	v4 =	vadd.s32 v6, v4;
	_ =	sdelay $0x3  }
0x103: {  	[tilespmem:v3+s10+$0x0] =	vst.idx.add.f32.msk $0xffff, v2  }
0x104: {  	[tilespmem:v4+s10+$0x0] =	vst.idx.add.f32.msk $0xffff, v2  }
0x105: {  	v3 =	vld [tilespmem:s14+$0xFFFFF180]  }
0x106: {  	v4 =	vld [tilespmem:s14+$0xFFFFF580];
	_ =	sdelay $0x3  }
0x107: {  	v3 =	vadd.s32 v5, v3  }
0x108: {  	v4 =	vadd.s32 v6, v4;
	_ =	sdelay $0x3  }
0x109: {  	[tilespmem:v3+s10+$0x0] =	vst.idx.add.f32.msk $0xffff, v2  }
0x10a: {  	[tilespmem:v4+s10+$0x0] =	vst.idx.add.f32.msk $0xffff, v2  }
0x10b: {  	v3 =	vld [tilespmem:s14+$0xFFFFF200]  }
0x10c: {  	v4 =	vld [tilespmem:s14+$0xFFFFF600];
	_ =	sdelay $0x3  }
0x10d: {  	v3 =	vadd.s32 v5, v3  }
0x10e: {  	v4 =	vadd.s32 v6, v4;
	_ =	sdelay $0x3  }
0x10f: {  	[tilespmem:v3+s10+$0x0] =	vst.idx.add.f32.msk $0xffff, v2  }
0x110: {  	[tilespmem:v4+s10+$0x0] =	vst.idx.add.f32.msk $0xffff, v2  }
0x111: {  	v3 =	vld [tilespmem:s14+$0xFFFFF280]  }
0x112: {  	v4 =	vld [tilespmem:s14+$0xFFFFF680];
	_ =	sdelay $0x3  }
0x113: {  	v3 =	vadd.s32 v5, v3  }
0x114: {  	v4 =	vadd.s32 v6, v4;
	_ =	sdelay $0x3  }
0x115: {  	[tilespmem:v3+s10+$0x0] =	vst.idx.add.f32.msk $0xffff, v2  }
0x116: {  	[tilespmem:v4+s10+$0x0] =	vst.idx.add.f32.msk $0xffff, v2  }
0x117: {  	v3 =	vld [tilespmem:s14+$0xFFFFF300]  }
0x118: {  	v4 =	vld [tilespmem:s14+$0xFFFFF700];
	_ =	sdelay $0x3  }
0x119: {  	v3 =	vadd.s32 v5, v3  }
0x11a: {  	v4 =	vadd.s32 v6, v4;
	_ =	sdelay $0x3  }
0x11b: {  	[tilespmem:v3+s10+$0x0] =	vst.idx.add.f32.msk $0xffff, v2  }
0x11c: {  	[tilespmem:v4+s10+$0x0] =	vst.idx.add.f32.msk $0xffff, v2  }
0x11d: {  	v3 =	vld [tilespmem:s14+$0xFFFFF380]  }
0x11e: {  	v4 =	vld [tilespmem:s14+$0xFFFFF780];
	_ =	sdelay $0x3  }
0x11f: {  	v3 =	vadd.s32 v5, v3  }
0x120: {  	v4 =	vadd.s32 v6, v4;
	_ =	sdelay $0x3  }
0x121: {  	[tilespmem:v3+s10+$0x0] =	vst.idx.add.f32.msk $0xffff, v2  }
0x122: {  	[tilespmem:v4+s10+$0x0] =	vst.idx.add.f32.msk $0xffff, v2  }
0x123: {  	v3 =	vld [tilespmem:s14+$0x0]  }
0x124: {  	v4 =	vld [tilespmem:s14+$0x400];
	_ =	sdelay $0x3  }
0x125: {  	v3 =	vadd.s32 v5, v3  }
0x126: {  	v4 =	vadd.s32 v6, v4;
	_ =	sdelay $0x3  }
0x127: {  	[tilespmem:v3+s10+$0x0] =	vst.idx.add.f32.msk $0xffff, v2  }
0x128: {  	[tilespmem:v4+s10+$0x0] =	vst.idx.add.f32.msk $0xffff, v2  }
0x129: {  	v3 =	vld [tilespmem:s14+$0x80]  }
0x12a: {  	v4 =	vld [tilespmem:s14+$0x480];
	_ =	sdelay $0x3  }
0x12b: {  	v3 =	vadd.s32 v5, v3  }
0x12c: {  	v4 =	vadd.s32 v6, v4;
	_ =	sdelay $0x3  }
0x12d: {  	[tilespmem:v3+s10+$0x0] =	vst.idx.add.f32.msk $0xffff, v2  }
0x12e: {  	[tilespmem:v4+s10+$0x0] =	vst.idx.add.f32.msk $0xffff, v2  }
0x12f: {  	v3 =	vld [tilespmem:s14+$0x100]  }
0x130: {  	v4 =	vld [tilespmem:s14+$0x500];
	_ =	sdelay $0x3  }
0x131: {  	v3 =	vadd.s32 v5, v3  }
0x132: {  	v4 =	vadd.s32 v6, v4;
	_ =	sdelay $0x3  }
0x133: {  	[tilespmem:v3+s10+$0x0] =	vst.idx.add.f32.msk $0xffff, v2  }
0x134: {  	[tilespmem:v4+s10+$0x0] =	vst.idx.add.f32.msk $0xffff, v2  }
0x135: {  	v3 =	vld [tilespmem:s14+$0x180]  }
0x136: {  	v4 =	vld [tilespmem:s14+$0x580];
	_ =	sdelay $0x3  }
0x137: {  	v3 =	vadd.s32 v5, v3  }
0x138: {  	v4 =	vadd.s32 v6, v4;
	_ =	sdelay $0x3  }
0x139: {  	[tilespmem:v3+s10+$0x0] =	vst.idx.add.f32.msk $0xffff, v2  }
0x13a: {  	[tilespmem:v4+s10+$0x0] =	vst.idx.add.f32.msk $0xffff, v2  }
0x13b: {  	v3 =	vld [tilespmem:s14+$0x200]  }
0x13c: {  	v4 =	vld [tilespmem:s14+$0x600];
	_ =	sdelay $0x3  }
0x13d: {  	v3 =	vadd.s32 v5, v3  }
0x13e: {  	v4 =	vadd.s32 v6, v4;
	_ =	sdelay $0x3  }
0x13f: {  	[tilespmem:v3+s10+$0x0] =	vst.idx.add.f32.msk $0xffff, v2  }
0x140: {  	[tilespmem:v4+s10+$0x0] =	vst.idx.add.f32.msk $0xffff, v2  }
0x141: {  	v3 =	vld [tilespmem:s14+$0x280]  }
0x142: {  	v4 =	vld [tilespmem:s14+$0x680];
	_ =	sdelay $0x3  }
0x143: {  	v3 =	vadd.s32 v5, v3  }
0x144: {  	v4 =	vadd.s32 v6, v4;
	_ =	sdelay $0x3  }
0x145: {  	[tilespmem:v3+s10+$0x0] =	vst.idx.add.f32.msk $0xffff, v2  }
0x146: {  	[tilespmem:v4+s10+$0x0] =	vst.idx.add.f32.msk $0xffff, v2  }
0x147: {  	v3 =	vld [tilespmem:s14+$0x300]  }
0x148: {  	v4 =	vld [tilespmem:s14+$0x700];
	_ =	sdelay $0x3  }
0x149: {  	v3 =	vadd.s32 v5, v3  }
0x14a: {  	v4 =	vadd.s32 v6, v4;
	_ =	sdelay $0x3  }
0x14b: {  	[tilespmem:v3+s10+$0x0] =	vst.idx.add.f32.msk $0xffff, v2  }
0x14c: {  	[tilespmem:v4+s10+$0x0] =	vst.idx.add.f32.msk $0xffff, v2  }
0x14d: {  	v3 =	vld [tilespmem:s14+$0x380]  }
0x14e: {  	v4 =	vld [tilespmem:s14+$0x780];
	_ =	sdelay $0x3  }
0x14f: {  	v3 =	vadd.s32 v5, v3  }
0x150: {  	v4 =	vadd.s32 v6, v4;
	_ =	sdelay $0x3  }
0x151: {  	[tilespmem:v3+s10+$0x0] =	vst.idx.add.f32.msk $0xffff, v2  }
0x152: {  	[tilespmem:v4+s10+$0x0] =	vst.idx.add.f32.msk $0xffff, v2  }
0x153: {  	v3 =	vld [tilespmem:s14+$0x1000]  }
0x154: {  	v4 =	vld [tilespmem:s14+$0x1400];
	_ =	sdelay $0x3  }
0x155: {  	v3 =	vadd.s32 v5, v3  }
0x156: {  	v4 =	vadd.s32 v6, v4;
	_ =	sdelay $0x3  }
0x157: {  	[tilespmem:v3+s10+$0x0] =	vst.idx.add.f32.msk $0xffff, v2  }
0x158: {  	[tilespmem:v4+s10+$0x0] =	vst.idx.add.f32.msk $0xffff, v2  }
0x159: {  	v3 =	vld [tilespmem:s14+$0x1080]  }
0x15a: {  	v4 =	vld [tilespmem:s14+$0x1480];
	_ =	sdelay $0x3  }
0x15b: {  	v3 =	vadd.s32 v5, v3  }
0x15c: {  	v4 =	vadd.s32 v6, v4;
	_ =	sdelay $0x3  }
0x15d: {  	[tilespmem:v3+s10+$0x0] =	vst.idx.add.f32.msk $0xffff, v2  }
0x15e: {  	[tilespmem:v4+s10+$0x0] =	vst.idx.add.f32.msk $0xffff, v2  }
0x15f: {  	v3 =	vld [tilespmem:s14+$0x1100]  }
0x160: {  	v4 =	vld [tilespmem:s14+$0x1500];
	_ =	sdelay $0x3  }
0x161: {  	v3 =	vadd.s32 v5, v3  }
0x162: {  	v4 =	vadd.s32 v6, v4;
	_ =	sdelay $0x3  }
0x163: {  	[tilespmem:v3+s10+$0x0] =	vst.idx.add.f32.msk $0xffff, v2  }
0x164: {  	[tilespmem:v4+s10+$0x0] =	vst.idx.add.f32.msk $0xffff, v2  }
0x165: {  	v3 =	vld [tilespmem:s14+$0x1180]  }
0x166: {  	v4 =	vld [tilespmem:s14+$0x1580];
	_ =	sdelay $0x3  }
0x167: {  	v3 =	vadd.s32 v5, v3  }
0x168: {  	p0 =	sne.s32 s15, $0x170;
	v4 =	vadd.s32 v6, v4  }
.Ltmp3:
0x169: {  	_ = 	snop;
	(pc) =	sbr.rel @p0 .LBB2_8-.Ltmp3, $3  }
0x16a: {  	_ =	sdelay $0x1  }
0x16b: {  	[tilespmem:v3+s10+$0x0] =	vst.idx.add.f32.msk $0xffff, v2  }
0x16c: {  	s15 =	sadd.s32 $0x10, s15;
	s14 =	sadd.s32 $0x10, s14;
	[tilespmem:v4+s10+$0x0] =	vst.idx.add.f32.msk $0xffff, v2  }
0x16d: {  	[hbm4b:s5+s2] =	stream.linear.scatter [tilespmem:s11], [sflag:$0x2], $0x8000, $0x38;
	[tilespmem:$0x13000] =	vst v63  }
0x16e: {  	s13 =	sadd.s32 $0x1, s13  }
0x16f: {  	_ =	swait.ge [sflag:s12], $0x8000;
	p0 =	sne.s32 s13, s6  }
.Ltmp4:
0x170: {  	[sflag:s12] =	ssyncset.done $0x0;
	(pc) =	sbr.rel @p0 .LBB2_1-.Ltmp4, $4  }
0x171: {  	[sflag:s12] =	ssyncadd.s32 $0xFFFF8000  }
0x172: {  	_ =	swait.ge [sflag:s12], $0x8000  }
0x173: {  	[sflag:s12] =	ssyncset.done $0x0  }
0x174: {  	[sflag:s12] =	ssyncadd.s32 $0xFFFF8000  }
0x175: {  	_ =	sfence.sel $0x180000  }
0x176: {  	[bflag:$0x0] =	sbarrier.arrive $0xFFFF  }
0x177: {  	p0 =	sne.s32 s1, $0x0;
	_ =	strace $0x90000047  }
0x178: {  	s0 =	sadd.s32 @!p0 $0x100000, s0;
	[bflag:$0x2] =	sbarrier.arrive $0xFFFF  }
0x179: {  	[sflag:s0] =	ssyncadd.tile.s32 @!p0 $0x1;
	_ =	shalt  }
.Lfunc_end2:
_tile_overlayer_lowered:
.L_overlay_start_2:
0x17a: {  	(tag) =	ssettag $0x2  }
0x17b: {  	s0 =	rddreg [dreg:$0x0];
	s2 =	stileid.u32  }
0x17c: {  	s1 =	rddreg [dreg:$0x1];
	p0 =	sne.s32 s2, $0x0  }
0x17d: {  	s3 =	rddreg [dreg:$0x2];
	[bflag:$0x3] =	sbarrier.arrive $0xFFFF;
	s2 =	simm.s32 @!p0 $0x1C03  }
0x17e: {  	[timem:s3], [sflag:s2] =	dma.local @!p0 [hbm:s0], s1  }
0x17f: {  	s0 =	simm.s32 @!p0 $0x3  }
0x180: {  	_ =	swait.ge @!p0 [sflag:s0], s1  }
0x181: {  	s1 =	ssub.s32 @!p0 $0x0, s1;
	[sflag:s0] =	ssyncset.done @!p0 $0x0  }
0x182: {  	[sflag:s0] =	ssyncadd.s32 @!p0 s1  }
0x183: {  	[bflag:$0x3] =	sbarrier.arrive $0xFFFF  }
0x184: {  	_ =	shalt  }

</sc_bundles>
